<compile_context>
chip_gen: v7x
topology: tpu7x:2x2x1
jax: 0.10.2.dev20260603
libtpu: 0.0.44.dev20260713+nightly
codegen_flags: <defaults>
</compile_context>

<pallas_src>
import functools

import jax
import jax.numpy as jnp
from jax import lax
from jax.experimental import pallas as pl
from jax.experimental.pallas import tpu as pltpu
from jax.experimental.pallas import tpu_sc as plsc

BATCH = 16384
D = 64
N = 1000000
HSH = 19
NROW = 1 << (HSH - 1)
NC, NS = 2, 16
NW = NC * NS
B_PER_W = BATCH // NW
HALF = B_PER_W // 2
L = 16


_PBLK = 8192
_PGRID = (1 << HSH) // _PBLK
_NINB = (N + _PBLK - 1) // _PBLK


def _prep_body(*refs):
    in_refs = refs[:8]
    out_refs = refs[8:12]
    for t in range(4):
        halves = []
        for h in range(2):
            x = in_refs[2 * t + h][...]
            if x.dtype != jnp.bfloat16:
                x = x.astype(jnp.bfloat16)
            xt = jnp.swapaxes(x, 0, 1)
            halves.append(pltpu.bitcast(xt, jnp.int32))
        out_refs[t][...] = jnp.concatenate(halves, axis=1)


def _prep(tabs_t):
    def in_spec(h):
        base = h * _PGRID
        return pl.BlockSpec(
            (D, _PBLK), lambda i, b=base: (0, jnp.minimum(i + b, _NINB - 1)))

    in_specs = [in_spec(h) for _ in range(4) for h in range(2)]
    out_spec = pl.BlockSpec((_PBLK // 2, 128), lambda i: (i, 0))
    out_t = jax.ShapeDtypeStruct((NROW, 128), jnp.int32)
    ins = []
    for t in tabs_t:
        ins.extend([t, t])
    return pl.pallas_call(
        _prep_body,
        grid=(_PGRID,),
        in_specs=in_specs,
        out_specs=(out_spec,) * 4,
        out_shape=(out_t,) * 4,
        compiler_params=pltpu.CompilerParams(
            dimension_semantics=("arbitrary",),
            vmem_limit_bytes=100 * 1024 * 1024),
    )(*ins)



_SC_MESH = plsc.VectorSubcoreMesh(core_axis_name="c", subcore_axis_name="s")

_ROWS_T = jax.ShapeDtypeStruct((BATCH, 128), jnp.int32)


@functools.partial(
    pl.kernel,
    mesh=_SC_MESH,
    out_type=(_ROWS_T, _ROWS_T, _ROWS_T, _ROWS_T),
    scratch_types=[
        pltpu.VMEM((B_PER_W,), jnp.int32),
        pltpu.VMEM((B_PER_W,), jnp.int32),
        pltpu.VMEM((HALF, 128), jnp.int32),
        pltpu.VMEM((HALF, 128), jnp.int32),
        pltpu.SemaphoreType.DMA,
        pltpu.SemaphoreType.DMA,
        pltpu.SemaphoreType.DMA,
        pltpu.SemaphoreType.DMA,
    ],
)
def _gather4(uid_hbm, iid_hbm, umf_hbm, imf_hbm, uneu_hbm, ineu_hbm,
             out_umf, out_imf, out_uneu, out_ineu,
             idx_u, idx_i, buf_a, buf_b, sem_a, sem_b, sem_wa, sem_wb):
    wid = lax.axis_index("s") * NC + lax.axis_index("c")
    base = wid * B_PER_W
    pltpu.sync_copy(uid_hbm.at[pl.ds(base, B_PER_W)], idx_u)
    pltpu.sync_copy(iid_hbm.at[pl.ds(base, B_PER_W)], idx_i)
    mask = jnp.int32(NROW - 1)
    for k in range(B_PER_W // L):
        sl = pl.ds(k * L, L)
        idx_u[sl] = lax.shift_right_logical(idx_u[sl], 1) & mask
        idx_i[sl] = lax.shift_right_logical(idx_i[sl], 1) & mask

    jobs = ((umf_hbm, idx_u, out_umf), (imf_hbm, idx_i, out_imf),
            (uneu_hbm, idx_u, out_uneu), (ineu_hbm, idx_i, out_ineu))
    for tbl, idx, out in jobs:
        g0 = pltpu.async_copy(tbl.at[idx.at[pl.ds(0, HALF)]], buf_a, sem_a)
        g1 = pltpu.async_copy(tbl.at[idx.at[pl.ds(HALF, HALF)]], buf_b, sem_b)
        g0.wait()
        w0 = pltpu.async_copy(buf_a, out.at[pl.ds(base, HALF)], sem_wa)
        g1.wait()
        w1 = pltpu.async_copy(buf_b, out.at[pl.ds(base + HALF, HALF)], sem_wb)
        w0.wait()
        w1.wait()




def _mlp_body(uid_ref, iid_ref, umf_ref, imf_ref, uneu_ref, ineu_ref,
              w0a_ref, w0b_ref, b0_ref, w1t_ref, b1_ref, out_ref):
    def pick(rows, ids):
        idb = ids[:, :D]
        mh = lax.shift_right_logical(idb, HSH) & 1 == 1
        half = jnp.where(mh, rows[:, D:], rows[:, :D])
        modd = (idb & 1) == 1
        w = jnp.where(modd, half & jnp.int32(-65536), lax.shift_left(half, 16))
        return lax.bitcast_convert_type(w, jnp.float32)

    ub = uid_ref[...]
    ib = iid_ref[...]
    umf = pick(umf_ref[...], ub)
    imf = pick(imf_ref[...], ib)
    uneu = pick(uneu_ref[...], ub)
    ineu = pick(ineu_ref[...], ib)
    h0 = jax.nn.sigmoid(
        jnp.dot(uneu, w0a_ref[...], preferred_element_type=jnp.float32)
        + jnp.dot(ineu, w0b_ref[...], preferred_element_type=jnp.float32)
        + b0_ref[...])
    h1 = jax.nn.sigmoid(
        jnp.dot(h0, w1t_ref[...], preferred_element_type=jnp.float32)
        + b1_ref[...])
    gmf = jnp.sum(umf * imf, axis=1)
    out_ref[...] = gmf + jnp.sum(h1, axis=1)


_BLK = 2048


def _mlp(uidb, iidb, umf, imf, uneu, ineu, w0a, w0b, b0, w1t, b1):
    grid = (BATCH // _BLK,)
    rows_spec = pl.BlockSpec((_BLK, 128), lambda i: (i, 0))
    full = lambda shape: pl.BlockSpec(shape, lambda i: (0,) * len(shape))
    return pl.pallas_call(
        _mlp_body,
        grid=grid,
        in_specs=[
            rows_spec, rows_spec,
            rows_spec, rows_spec, rows_spec, rows_spec,
            full((D, 128)), full((D, 128)), full((1, 128)),
            full((128, 64)), full((1, 64)),
        ],
        out_specs=pl.BlockSpec((_BLK,), lambda i: (i,)),
        out_shape=jax.ShapeDtypeStruct((BATCH,), jnp.float32),
    )(uidb, iidb, umf, imf, uneu, ineu, w0a, w0b, b0, w1t, b1)


def kernel(user_id, item_id, users_mf, items_mf, users_neu, items_neu,
           W0, b0, W1, b1):
    uid = user_id.astype(jnp.int32)
    iid = item_id.astype(jnp.int32)
    tabs = _prep([t.T for t in (users_mf, items_mf, users_neu, items_neu)])
    rows = _gather4(uid, iid, *tabs)
    uidb = jnp.broadcast_to(uid[:, None], (BATCH, 128))
    iidb = jnp.broadcast_to(iid[:, None], (BATCH, 128))
    w0a = W0[:, :D].T
    w0b = W0[:, D:].T
    w1t = W1.T
    return _mlp(uidb, iidb, *rows, w0a, w0b,
                b0.reshape(1, -1), w1t, b1.reshape(1, -1))

# --- scband reference (transcript-rebuilt; emitter-appended) ---
"""Pipeline reference for scband-neu-mf-1056561955422 (READ-ONLY COPY).

The authoritative reference and input builder live on the scoring server;
editing this copy changes nothing except your own understanding.
"""

import jax, jax.numpy as jnp
import numpy as np

N_USERS = 1000000
N_ITEMS = 1000000
N_FACTORS = 64
HIDDENS = [128, 64]
BATCH = 16384


def setup_inputs(seed: int = 0) -> dict:
    key = jax.random.key(seed)
    ks = jax.random.split(key, 12)
    user_id = jax.random.randint(ks[0], (BATCH,), 0, N_USERS, dtype=jnp.int64 if jax.config.jax_enable_x64 else jnp.int32)
    item_id = jax.random.randint(ks[1], (BATCH,), 0, N_ITEMS, dtype=jnp.int64 if jax.config.jax_enable_x64 else jnp.int32)
    # embedding tables, init normal(mean=0.1, std=1.0) per torch.nn.init.normal_(w, 0.1)
    users_mf = jax.random.normal(ks[2], (N_USERS, N_FACTORS), dtype=jnp.float32) + 0.1
    items_mf = jax.random.normal(ks[3], (N_ITEMS, N_FACTORS), dtype=jnp.float32) + 0.1
    users_neu = jax.random.normal(ks[4], (N_USERS, N_FACTORS), dtype=jnp.float32) + 0.1
    items_neu = jax.random.normal(ks[5], (N_ITEMS, N_FACTORS), dtype=jnp.float32) + 0.1
    # MLP params: Linear(2*n_factors -> 128), Linear(128 -> 64)
    in0 = 2 * N_FACTORS
    lim0 = 1.0 / np.sqrt(in0)
    W0 = jax.random.uniform(ks[6], (HIDDENS[0], in0), minval=-lim0, maxval=lim0, dtype=jnp.float32)
    b0 = jax.random.uniform(ks[7], (HIDDENS[0],), minval=-lim0, maxval=lim0, dtype=jnp.float32)
    lim1 = 1.0 / np.sqrt(HIDDENS[0])
    W1 = jax.random.uniform(ks[8], (HIDDENS[1], HIDDENS[0]), minval=-lim1, maxval=lim1, dtype=jnp.float32)
    b1 = jax.random.uniform(ks[9], (HIDDENS[1],), minval=-lim1, maxval=lim1, dtype=jnp.float32)
    return {"user_id": user_id, "item_id": item_id,
            "users_mf": users_mf, "items_mf": items_mf,
            "users_neu": users_neu, "items_neu": items_neu,
            "W0": W0, "b0": b0, "W1": W1, "b1": b1}


def reference(user_id, item_id, users_mf, items_mf, users_neu, items_neu, W0, b0, W1, b1):
    user_mf = jnp.take(users_mf, user_id, axis=0)
    item_mf = jnp.take(items_mf, item_id, axis=0)
    user_neu = jnp.take(users_neu, user_id, axis=0)
    item_neu = jnp.take(items_neu, item_id, axis=0)
    gmf = user_mf * item_mf
    input_vector = jnp.concatenate([user_neu, item_neu], axis=1)
    # MLP: Linear -> Sigmoid -> Dropout(eval: identity), twice
    h = jax.nn.sigmoid(input_vector @ W0.T + b0)
    h = jax.nn.sigmoid(h @ W1.T + b1)
    combine_result = jnp.concatenate([gmf, h], axis=1)
    return combine_result.sum(-1)


if False:  # reference __main__ guard neutralized (emitter)
    inp = setup_inputs()
    out = reference(**inp)
    print(out.shape, out.dtype)

if __name__ == "__main__":
    import jax
    _d = setup_inputs()
    print(jax.jit(kernel)(*tuple(_d.values())))

</pallas_src>

<mosaic_0001>
#map = affine_map<(d0, d1) -> (0)>
#map1 = affine_map<(d0, d1) -> (0, 0)>
module attributes {stable_mosaic.version = 14 : i64} {
  func.func @_gather4(%arg0: i32, %arg1: i32, %arg2: memref<16384xi32, #tpu.memory_space<hbm>>, %arg3: memref<16384xi32, #tpu.memory_space<hbm>>, %arg4: memref<262144x128xi32, #tpu.memory_space<hbm>>, %arg5: memref<262144x128xi32, #tpu.memory_space<hbm>>, %arg6: memref<262144x128xi32, #tpu.memory_space<hbm>>, %arg7: memref<262144x128xi32, #tpu.memory_space<hbm>>, %arg8: memref<16384x128xi32, #tpu.memory_space<hbm>>, %arg9: memref<16384x128xi32, #tpu.memory_space<hbm>>, %arg10: memref<16384x128xi32, #tpu.memory_space<hbm>>, %arg11: memref<16384x128xi32, #tpu.memory_space<hbm>>, %arg12: memref<512xi32, #tpu.memory_space<vmem>>, %arg13: memref<512xi32, #tpu.memory_space<vmem>>, %arg14: memref<256x128xi32, #tpu.memory_space<vmem>>, %arg15: memref<256x128xi32, #tpu.memory_space<vmem>>, %arg16: memref<!tpu.dma_semaphore, #tpu.memory_space<semaphore_mem>>, %arg17: memref<!tpu.dma_semaphore, #tpu.memory_space<semaphore_mem>>, %arg18: memref<!tpu.dma_semaphore, #tpu.memory_space<semaphore_mem>>, %arg19: memref<!tpu.dma_semaphore, #tpu.memory_space<semaphore_mem>>) attributes {dimension_semantics = [#tpu.dimension_semantics<core_parallel>, #tpu.dimension_semantics<subcore_parallel>], iteration_bounds = array<i64: 2, 16>, scalar_prefetch = 0 : i64, scratch_operands = 8 : i64, tpu.core_type = #tpu.core_type<sc_vector_subcore>, window_params = [{transform_indices = #map}, {transform_indices = #map}, {transform_indices = #map1}, {transform_indices = #map1}, {transform_indices = #map1}, {transform_indices = #map1}, {transform_indices = #map1}, {transform_indices = #map1}, {transform_indices = #map1}, {transform_indices = #map1}]} {
    %mul3A = arith.constant 2 : i32
    %mul3A_0 = arith.muli %arg1, %mul3A : i32
    %add3A = arith.addi %mul3A_0, %arg0 : i32
    %mul3A_1 = arith.constant 512 : i32
    %mul3A_2 = arith.muli %add3A, %mul3A_1 : i32
    "tpu.region"() ({
      %run_scoped3A = tpu.sem_alloc : memref<!tpu.dma_semaphore, #tpu.memory_space<semaphore_mem>>
      %dma_start3A_981 = tpu.memref_slice %arg2[%mul3A_2] : memref<16384xi32, #tpu.memory_space<hbm>> -> memref<512xi32, #tpu.memory_space<hbm>>
      %dma_start3A_982 = tpu.memref_slice %arg2[%mul3A_2] : memref<16384xi32, #tpu.memory_space<hbm>> -> memref<512xi32, #tpu.memory_space<hbm>>
      tpu.enqueue_dma source(%dma_start3A_982 : memref<512xi32, #tpu.memory_space<hbm>>) target(%arg12 : memref<512xi32, #tpu.memory_space<vmem>>) target_semaphore(%run_scoped3A : memref<!tpu.dma_semaphore, #tpu.memory_space<semaphore_mem>>)
      %dma_wait3A_983 = tpu.memref_slice %arg2[%mul3A_2] : memref<16384xi32, #tpu.memory_space<hbm>> -> memref<512xi32, #tpu.memory_space<hbm>>
      %dma_wait3A_984 = tpu.memref_slice %arg2[%mul3A_2] : memref<16384xi32, #tpu.memory_space<hbm>> -> memref<512xi32, #tpu.memory_space<hbm>>
      tpu.wait_dma2 semaphore(%run_scoped3A : memref<!tpu.dma_semaphore, #tpu.memory_space<semaphore_mem>>) src(%dma_wait3A_984 : memref<512xi32, #tpu.memory_space<hbm>>) dst(%arg12 : memref<512xi32, #tpu.memory_space<vmem>>)
      tpu.yield
    }) : () -> ()
    "tpu.region"() ({
      %run_scoped3A = tpu.sem_alloc : memref<!tpu.dma_semaphore, #tpu.memory_space<semaphore_mem>>
      %dma_start3A_981 = tpu.memref_slice %arg3[%mul3A_2] : memref<16384xi32, #tpu.memory_space<hbm>> -> memref<512xi32, #tpu.memory_space<hbm>>
      %dma_start3A_982 = tpu.memref_slice %arg3[%mul3A_2] : memref<16384xi32, #tpu.memory_space<hbm>> -> memref<512xi32, #tpu.memory_space<hbm>>
      tpu.enqueue_dma source(%dma_start3A_982 : memref<512xi32, #tpu.memory_space<hbm>>) target(%arg13 : memref<512xi32, #tpu.memory_space<vmem>>) target_semaphore(%run_scoped3A : memref<!tpu.dma_semaphore, #tpu.memory_space<semaphore_mem>>)
      %dma_wait3A_983 = tpu.memref_slice %arg3[%mul3A_2] : memref<16384xi32, #tpu.memory_space<hbm>> -> memref<512xi32, #tpu.memory_space<hbm>>
      %dma_wait3A_984 = tpu.memref_slice %arg3[%mul3A_2] : memref<16384xi32, #tpu.memory_space<hbm>> -> memref<512xi32, #tpu.memory_space<hbm>>
      tpu.wait_dma2 semaphore(%run_scoped3A : memref<!tpu.dma_semaphore, #tpu.memory_space<semaphore_mem>>) src(%dma_wait3A_984 : memref<512xi32, #tpu.memory_space<hbm>>) dst(%arg13 : memref<512xi32, #tpu.memory_space<vmem>>)
      tpu.yield
    }) : () -> ()
    %get3A = arith.constant 0 : index
    %get3A_3 = tpu.vector_load %arg12[%get3A] {strides = array<i32>} : memref<512xi32, #tpu.memory_space<vmem>>, vector<16xi32>,
    %get3A_4 = vector.shape_cast %get3A_3 : vector<16xi32> to vector<16xi32>
    %shift_right_logical3A = arith.constant 1 : i32
    %shift_right_logical3A_5 = vector.broadcast %shift_right_logical3A : i32 to vector<16xi32>
    %shift_right_logical3A_6 = arith.shrui %get3A_4, %shift_right_logical3A_5 : vector<16xi32>
    %and3A = arith.constant 262143 : i32
    %and3A_7 = vector.broadcast %and3A : i32 to vector<16xi32>
    %and3A_8 = arith.andi %shift_right_logical3A_6, %and3A_7 : vector<16xi32>
    %swap3A = arith.constant 0 : index
    %swap3A_9 = tpu.vector_load %arg12[%swap3A] {strides = array<i32>} : memref<512xi32, #tpu.memory_space<vmem>>, vector<16xi32>,
    %swap3A_10 = vector.shape_cast %swap3A_9 : vector<16xi32> to vector<16xi32>
    %swap3A_11 = vector.shape_cast %and3A_8 : vector<16xi32> to vector<16xi32>
    tpu.vector_store %arg12[%swap3A], %swap3A_11 {strides = array<i32>} : memref<512xi32, #tpu.memory_space<vmem>>, vector<16xi32>,
    %get3A_12 = arith.constant 0 : index
    %get3A_13 = tpu.vector_load %arg13[%get3A_12] {strides = array<i32>} : memref<512xi32, #tpu.memory_space<vmem>>, vector<16xi32>,
    %get3A_14 = vector.shape_cast %get3A_13 : vector<16xi32> to vector<16xi32>
    %shift_right_logical3A_15 = arith.constant 1 : i32
    %shift_right_logical3A_16 = vector.broadcast %shift_right_logical3A_15 : i32 to vector<16xi32>
    %shift_right_logical3A_17 = arith.shrui %get3A_14, %shift_right_logical3A_16 : vector<16xi32>
    %and3A_18 = arith.constant 262143 : i32
    %and3A_19 = vector.broadcast %and3A_18 : i32 to vector<16xi32>
    %and3A_20 = arith.andi %shift_right_logical3A_17, %and3A_19 : vector<16xi32>
    %swap3A_21 = arith.constant 0 : index
    %swap3A_22 = tpu.vector_load %arg13[%swap3A_21] {strides = array<i32>} : memref<512xi32, #tpu.memory_space<vmem>>, vector<16xi32>,
    %swap3A_23 = vector.shape_cast %swap3A_22 : vector<16xi32> to vector<16xi32>
    %swap3A_24 = vector.shape_cast %and3A_20 : vector<16xi32> to vector<16xi32>
    tpu.vector_store %arg13[%swap3A_21], %swap3A_24 {strides = array<i32>} : memref<512xi32, #tpu.memory_space<vmem>>, vector<16xi32>,
    %get3A_25 = arith.constant 16 : index
    %get3A_26 = tpu.vector_load %arg12[%get3A_25] {strides = array<i32>} : memref<512xi32, #tpu.memory_space<vmem>>, vector<16xi32>,
    %get3A_27 = vector.shape_cast %get3A_26 : vector<16xi32> to vector<16xi32>
    %shift_right_logical3A_28 = arith.constant 1 : i32
    %shift_right_logical3A_29 = vector.broadcast %shift_right_logical3A_28 : i32 to vector<16xi32>
    %shift_right_logical3A_30 = arith.shrui %get3A_27, %shift_right_logical3A_29 : vector<16xi32>
    %and3A_31 = arith.constant 262143 : i32
    %and3A_32 = vector.broadcast %and3A_31 : i32 to vector<16xi32>
    %and3A_33 = arith.andi %shift_right_logical3A_30, %and3A_32 : vector<16xi32>
    %swap3A_34 = arith.constant 16 : index
    %swap3A_35 = tpu.vector_load %arg12[%swap3A_34] {strides = array<i32>} : memref<512xi32, #tpu.memory_space<vmem>>, vector<16xi32>,
    %swap3A_36 = vector.shape_cast %swap3A_35 : vector<16xi32> to vector<16xi32>
    %swap3A_37 = vector.shape_cast %and3A_33 : vector<16xi32> to vector<16xi32>
    tpu.vector_store %arg12[%swap3A_34], %swap3A_37 {strides = array<i32>} : memref<512xi32, #tpu.memory_space<vmem>>, vector<16xi32>,
    %get3A_38 = arith.constant 16 : index
    %get3A_39 = tpu.vector_load %arg13[%get3A_38] {strides = array<i32>} : memref<512xi32, #tpu.memory_space<vmem>>, vector<16xi32>,
    %get3A_40 = vector.shape_cast %get3A_39 : vector<16xi32> to vector<16xi32>
    %shift_right_logical3A_41 = arith.constant 1 : i32
    %shift_right_logical3A_42 = vector.broadcast %shift_right_logical3A_41 : i32 to vector<16xi32>
    %shift_right_logical3A_43 = arith.shrui %get3A_40, %shift_right_logical3A_42 : vector<16xi32>
    %and3A_44 = arith.constant 262143 : i32
    %and3A_45 = vector.broadcast %and3A_44 : i32 to vector<16xi32>
    %and3A_46 = arith.andi %shift_right_logical3A_43, %and3A_45 : vector<16xi32>
    %swap3A_47 = arith.constant 16 : index
    %swap3A_48 = tpu.vector_load %arg13[%swap3A_47] {strides = array<i32>} : memref<512xi32, #tpu.memory_space<vmem>>, vector<16xi32>,
    %swap3A_49 = vector.shape_cast %swap3A_48 : vector<16xi32> to vector<16xi32>
    %swap3A_50 = vector.shape_cast %and3A_46 : vector<16xi32> to vector<16xi32>
    tpu.vector_store %arg13[%swap3A_47], %swap3A_50 {strides = array<i32>} : memref<512xi32, #tpu.memory_space<vmem>>, vector<16xi32>,
    %get3A_51 = arith.constant 32 : index
    %get3A_52 = tpu.vector_load %arg12[%get3A_51] {strides = array<i32>} : memref<512xi32, #tpu.memory_space<vmem>>, vector<16xi32>,
    %get3A_53 = vector.shape_cast %get3A_52 : vector<16xi32> to vector<16xi32>
    %shift_right_logical3A_54 = arith.constant 1 : i32
    %shift_right_logical3A_55 = vector.broadcast %shift_right_logical3A_54 : i32 to vector<16xi32>
    %shift_right_logical3A_56 = arith.shrui %get3A_53, %shift_right_logical3A_55 : vector<16xi32>
    %and3A_57 = arith.constant 262143 : i32
    %and3A_58 = vector.broadcast %and3A_57 : i32 to vector<16xi32>
    %and3A_59 = arith.andi %shift_right_logical3A_56, %and3A_58 : vector<16xi32>
    %swap3A_60 = arith.constant 32 : index
    %swap3A_61 = tpu.vector_load %arg12[%swap3A_60] {strides = array<i32>} : memref<512xi32, #tpu.memory_space<vmem>>, vector<16xi32>,
    %swap3A_62 = vector.shape_cast %swap3A_61 : vector<16xi32> to vector<16xi32>
    %swap3A_63 = vector.shape_cast %and3A_59 : vector<16xi32> to vector<16xi32>
    tpu.vector_store %arg12[%swap3A_60], %swap3A_63 {strides = array<i32>} : memref<512xi32, #tpu.memory_space<vmem>>, vector<16xi32>,
    %get3A_64 = arith.constant 32 : index
    %get3A_65 = tpu.vector_load %arg13[%get3A_64] {strides = array<i32>} : memref<512xi32, #tpu.memory_space<vmem>>, vector<16xi32>,
    %get3A_66 = vector.shape_cast %get3A_65 : vector<16xi32> to vector<16xi32>
    %shift_right_logical3A_67 = arith.constant 1 : i32
    %shift_right_logical3A_68 = vector.broadcast %shift_right_logical3A_67 : i32 to vector<16xi32>
    %shift_right_logical3A_69 = arith.shrui %get3A_66, %shift_right_logical3A_68 : vector<16xi32>
    %and3A_70 = arith.constant 262143 : i32
    %and3A_71 = vector.broadcast %and3A_70 : i32 to vector<16xi32>
    %and3A_72 = arith.andi %shift_right_logical3A_69, %and3A_71 : vector<16xi32>
    %swap3A_73 = arith.constant 32 : index
    %swap3A_74 = tpu.vector_load %arg13[%swap3A_73] {strides = array<i32>} : memref<512xi32, #tpu.memory_space<vmem>>, vector<16xi32>,
    %swap3A_75 = vector.shape_cast %swap3A_74 : vector<16xi32> to vector<16xi32>
    %swap3A_76 = vector.shape_cast %and3A_72 : vector<16xi32> to vector<16xi32>
    tpu.vector_store %arg13[%swap3A_73], %swap3A_76 {strides = array<i32>} : memref<512xi32, #tpu.memory_space<vmem>>, vector<16xi32>,
    %get3A_77 = arith.constant 48 : index
    %get3A_78 = tpu.vector_load %arg12[%get3A_77] {strides = array<i32>} : memref<512xi32, #tpu.memory_space<vmem>>, vector<16xi32>,
    %get3A_79 = vector.shape_cast %get3A_78 : vector<16xi32> to vector<16xi32>
    %shift_right_logical3A_80 = arith.constant 1 : i32
    %shift_right_logical3A_81 = vector.broadcast %shift_right_logical3A_80 : i32 to vector<16xi32>
    %shift_right_logical3A_82 = arith.shrui %get3A_79, %shift_right_logical3A_81 : vector<16xi32>
    %and3A_83 = arith.constant 262143 : i32
    %and3A_84 = vector.broadcast %and3A_83 : i32 to vector<16xi32>
    %and3A_85 = arith.andi %shift_right_logical3A_82, %and3A_84 : vector<16xi32>
    %swap3A_86 = arith.constant 48 : index
    %swap3A_87 = tpu.vector_load %arg12[%swap3A_86] {strides = array<i32>} : memref<512xi32, #tpu.memory_space<vmem>>, vector<16xi32>,
    %swap3A_88 = vector.shape_cast %swap3A_87 : vector<16xi32> to vector<16xi32>
    %swap3A_89 = vector.shape_cast %and3A_85 : vector<16xi32> to vector<16xi32>
    tpu.vector_store %arg12[%swap3A_86], %swap3A_89 {strides = array<i32>} : memref<512xi32, #tpu.memory_space<vmem>>, vector<16xi32>,
    %get3A_90 = arith.constant 48 : index
    %get3A_91 = tpu.vector_load %arg13[%get3A_90] {strides = array<i32>} : memref<512xi32, #tpu.memory_space<vmem>>, vector<16xi32>,
    %get3A_92 = vector.shape_cast %get3A_91 : vector<16xi32> to vector<16xi32>
    %shift_right_logical3A_93 = arith.constant 1 : i32
    %shift_right_logical3A_94 = vector.broadcast %shift_right_logical3A_93 : i32 to vector<16xi32>
    %shift_right_logical3A_95 = arith.shrui %get3A_92, %shift_right_logical3A_94 : vector<16xi32>
    %and3A_96 = arith.constant 262143 : i32
    %and3A_97 = vector.broadcast %and3A_96 : i32 to vector<16xi32>
    %and3A_98 = arith.andi %shift_right_logical3A_95, %and3A_97 : vector<16xi32>
    %swap3A_99 = arith.constant 48 : index
    %swap3A_100 = tpu.vector_load %arg13[%swap3A_99] {strides = array<i32>} : memref<512xi32, #tpu.memory_space<vmem>>, vector<16xi32>,
    %swap3A_101 = vector.shape_cast %swap3A_100 : vector<16xi32> to vector<16xi32>
    %swap3A_102 = vector.shape_cast %and3A_98 : vector<16xi32> to vector<16xi32>
    tpu.vector_store %arg13[%swap3A_99], %swap3A_102 {strides = array<i32>} : memref<512xi32, #tpu.memory_space<vmem>>, vector<16xi32>,
    %get3A_103 = arith.constant 64 : index
    %get3A_104 = tpu.vector_load %arg12[%get3A_103] {strides = array<i32>} : memref<512xi32, #tpu.memory_space<vmem>>, vector<16xi32>,
    %get3A_105 = vector.shape_cast %get3A_104 : vector<16xi32> to vector<16xi32>
    %shift_right_logical3A_106 = arith.constant 1 : i32
    %shift_right_logical3A_107 = vector.broadcast %shift_right_logical3A_106 : i32 to vector<16xi32>
    %shift_right_logical3A_108 = arith.shrui %get3A_105, %shift_right_logical3A_107 : vector<16xi32>
    %and3A_109 = arith.constant 262143 : i32
    %and3A_110 = vector.broadcast %and3A_109 : i32 to vector<16xi32>
    %and3A_111 = arith.andi %shift_right_logical3A_108, %and3A_110 : vector<16xi32>
    %swap3A_112 = arith.constant 64 : index
    %swap3A_113 = tpu.vector_load %arg12[%swap3A_112] {strides = array<i32>} : memref<512xi32, #tpu.memory_space<vmem>>, vector<16xi32>,
    %swap3A_114 = vector.shape_cast %swap3A_113 : vector<16xi32> to vector<16xi32>
    %swap3A_115 = vector.shape_cast %and3A_111 : vector<16xi32> to vector<16xi32>
    tpu.vector_store %arg12[%swap3A_112], %swap3A_115 {strides = array<i32>} : memref<512xi32, #tpu.memory_space<vmem>>, vector<16xi32>,
    %get3A_116 = arith.constant 64 : index
    %get3A_117 = tpu.vector_load %arg13[%get3A_116] {strides = array<i32>} : memref<512xi32, #tpu.memory_space<vmem>>, vector<16xi32>,
    %get3A_118 = vector.shape_cast %get3A_117 : vector<16xi32> to vector<16xi32>
    %shift_right_logical3A_119 = arith.constant 1 : i32
    %shift_right_logical3A_120 = vector.broadcast %shift_right_logical3A_119 : i32 to vector<16xi32>
    %shift_right_logical3A_121 = arith.shrui %get3A_118, %shift_right_logical3A_120 : vector<16xi32>
    %and3A_122 = arith.constant 262143 : i32
    %and3A_123 = vector.broadcast %and3A_122 : i32 to vector<16xi32>
    %and3A_124 = arith.andi %shift_right_logical3A_121, %and3A_123 : vector<16xi32>
    %swap3A_125 = arith.constant 64 : index
    %swap3A_126 = tpu.vector_load %arg13[%swap3A_125] {strides = array<i32>} : memref<512xi32, #tpu.memory_space<vmem>>, vector<16xi32>,
    %swap3A_127 = vector.shape_cast %swap3A_126 : vector<16xi32> to vector<16xi32>
    %swap3A_128 = vector.shape_cast %and3A_124 : vector<16xi32> to vector<16xi32>
    tpu.vector_store %arg13[%swap3A_125], %swap3A_128 {strides = array<i32>} : memref<512xi32, #tpu.memory_space<vmem>>, vector<16xi32>,
    %get3A_129 = arith.constant 80 : index
    %get3A_130 = tpu.vector_load %arg12[%get3A_129] {strides = array<i32>} : memref<512xi32, #tpu.memory_space<vmem>>, vector<16xi32>,
    %get3A_131 = vector.shape_cast %get3A_130 : vector<16xi32> to vector<16xi32>
    %shift_right_logical3A_132 = arith.constant 1 : i32
    %shift_right_logical3A_133 = vector.broadcast %shift_right_logical3A_132 : i32 to vector<16xi32>
    %shift_right_logical3A_134 = arith.shrui %get3A_131, %shift_right_logical3A_133 : vector<16xi32>
    %and3A_135 = arith.constant 262143 : i32
    %and3A_136 = vector.broadcast %and3A_135 : i32 to vector<16xi32>
    %and3A_137 = arith.andi %shift_right_logical3A_134, %and3A_136 : vector<16xi32>
    %swap3A_138 = arith.constant 80 : index
    %swap3A_139 = tpu.vector_load %arg12[%swap3A_138] {strides = array<i32>} : memref<512xi32, #tpu.memory_space<vmem>>, vector<16xi32>,
    %swap3A_140 = vector.shape_cast %swap3A_139 : vector<16xi32> to vector<16xi32>
    %swap3A_141 = vector.shape_cast %and3A_137 : vector<16xi32> to vector<16xi32>
    tpu.vector_store %arg12[%swap3A_138], %swap3A_141 {strides = array<i32>} : memref<512xi32, #tpu.memory_space<vmem>>, vector<16xi32>,
    %get3A_142 = arith.constant 80 : index
    %get3A_143 = tpu.vector_load %arg13[%get3A_142] {strides = array<i32>} : memref<512xi32, #tpu.memory_space<vmem>>, vector<16xi32>,
    %get3A_144 = vector.shape_cast %get3A_143 : vector<16xi32> to vector<16xi32>
    %shift_right_logical3A_145 = arith.constant 1 : i32
    %shift_right_logical3A_146 = vector.broadcast %shift_right_logical3A_145 : i32 to vector<16xi32>
    %shift_right_logical3A_147 = arith.shrui %get3A_144, %shift_right_logical3A_146 : vector<16xi32>
    %and3A_148 = arith.constant 262143 : i32
    %and3A_149 = vector.broadcast %and3A_148 : i32 to vector<16xi32>
    %and3A_150 = arith.andi %shift_right_logical3A_147, %and3A_149 : vector<16xi32>
    %swap3A_151 = arith.constant 80 : index
    %swap3A_152 = tpu.vector_load %arg13[%swap3A_151] {strides = array<i32>} : memref<512xi32, #tpu.memory_space<vmem>>, vector<16xi32>,
    %swap3A_153 = vector.shape_cast %swap3A_152 : vector<16xi32> to vector<16xi32>
    %swap3A_154 = vector.shape_cast %and3A_150 : vector<16xi32> to vector<16xi32>
    tpu.vector_store %arg13[%swap3A_151], %swap3A_154 {strides = array<i32>} : memref<512xi32, #tpu.memory_space<vmem>>, vector<16xi32>,
    %get3A_155 = arith.constant 96 : index
    %get3A_156 = tpu.vector_load %arg12[%get3A_155] {strides = array<i32>} : memref<512xi32, #tpu.memory_space<vmem>>, vector<16xi32>,
    %get3A_157 = vector.shape_cast %get3A_156 : vector<16xi32> to vector<16xi32>
    %shift_right_logical3A_158 = arith.constant 1 : i32
    %shift_right_logical3A_159 = vector.broadcast %shift_right_logical3A_158 : i32 to vector<16xi32>
    %shift_right_logical3A_160 = arith.shrui %get3A_157, %shift_right_logical3A_159 : vector<16xi32>
    %and3A_161 = arith.constant 262143 : i32
    %and3A_162 = vector.broadcast %and3A_161 : i32 to vector<16xi32>
    %and3A_163 = arith.andi %shift_right_logical3A_160, %and3A_162 : vector<16xi32>
    %swap3A_164 = arith.constant 96 : index
    %swap3A_165 = tpu.vector_load %arg12[%swap3A_164] {strides = array<i32>} : memref<512xi32, #tpu.memory_space<vmem>>, vector<16xi32>,
    %swap3A_166 = vector.shape_cast %swap3A_165 : vector<16xi32> to vector<16xi32>
    %swap3A_167 = vector.shape_cast %and3A_163 : vector<16xi32> to vector<16xi32>
    tpu.vector_store %arg12[%swap3A_164], %swap3A_167 {strides = array<i32>} : memref<512xi32, #tpu.memory_space<vmem>>, vector<16xi32>,
    %get3A_168 = arith.constant 96 : index
    %get3A_169 = tpu.vector_load %arg13[%get3A_168] {strides = array<i32>} : memref<512xi32, #tpu.memory_space<vmem>>, vector<16xi32>,
    %get3A_170 = vector.shape_cast %get3A_169 : vector<16xi32> to vector<16xi32>
    %shift_right_logical3A_171 = arith.constant 1 : i32
    %shift_right_logical3A_172 = vector.broadcast %shift_right_logical3A_171 : i32 to vector<16xi32>
    %shift_right_logical3A_173 = arith.shrui %get3A_170, %shift_right_logical3A_172 : vector<16xi32>
    %and3A_174 = arith.constant 262143 : i32
    %and3A_175 = vector.broadcast %and3A_174 : i32 to vector<16xi32>
    %and3A_176 = arith.andi %shift_right_logical3A_173, %and3A_175 : vector<16xi32>
    %swap3A_177 = arith.constant 96 : index
    %swap3A_178 = tpu.vector_load %arg13[%swap3A_177] {strides = array<i32>} : memref<512xi32, #tpu.memory_space<vmem>>, vector<16xi32>,
    %swap3A_179 = vector.shape_cast %swap3A_178 : vector<16xi32> to vector<16xi32>
    %swap3A_180 = vector.shape_cast %and3A_176 : vector<16xi32> to vector<16xi32>
    tpu.vector_store %arg13[%swap3A_177], %swap3A_180 {strides = array<i32>} : memref<512xi32, #tpu.memory_space<vmem>>, vector<16xi32>,
    %get3A_181 = arith.constant 112 : index
    %get3A_182 = tpu.vector_load %arg12[%get3A_181] {strides = array<i32>} : memref<512xi32, #tpu.memory_space<vmem>>, vector<16xi32>,
    %get3A_183 = vector.shape_cast %get3A_182 : vector<16xi32> to vector<16xi32>
    %shift_right_logical3A_184 = arith.constant 1 : i32
    %shift_right_logical3A_185 = vector.broadcast %shift_right_logical3A_184 : i32 to vector<16xi32>
    %shift_right_logical3A_186 = arith.shrui %get3A_183, %shift_right_logical3A_185 : vector<16xi32>
    %and3A_187 = arith.constant 262143 : i32
    %and3A_188 = vector.broadcast %and3A_187 : i32 to vector<16xi32>
    %and3A_189 = arith.andi %shift_right_logical3A_186, %and3A_188 : vector<16xi32>
    %swap3A_190 = arith.constant 112 : index
    %swap3A_191 = tpu.vector_load %arg12[%swap3A_190] {strides = array<i32>} : memref<512xi32, #tpu.memory_space<vmem>>, vector<16xi32>,
    %swap3A_192 = vector.shape_cast %swap3A_191 : vector<16xi32> to vector<16xi32>
    %swap3A_193 = vector.shape_cast %and3A_189 : vector<16xi32> to vector<16xi32>
    tpu.vector_store %arg12[%swap3A_190], %swap3A_193 {strides = array<i32>} : memref<512xi32, #tpu.memory_space<vmem>>, vector<16xi32>,
    %get3A_194 = arith.constant 112 : index
    %get3A_195 = tpu.vector_load %arg13[%get3A_194] {strides = array<i32>} : memref<512xi32, #tpu.memory_space<vmem>>, vector<16xi32>,
    %get3A_196 = vector.shape_cast %get3A_195 : vector<16xi32> to vector<16xi32>
    %shift_right_logical3A_197 = arith.constant 1 : i32
    %shift_right_logical3A_198 = vector.broadcast %shift_right_logical3A_197 : i32 to vector<16xi32>
    %shift_right_logical3A_199 = arith.shrui %get3A_196, %shift_right_logical3A_198 : vector<16xi32>
    %and3A_200 = arith.constant 262143 : i32
    %and3A_201 = vector.broadcast %and3A_200 : i32 to vector<16xi32>
    %and3A_202 = arith.andi %shift_right_logical3A_199, %and3A_201 : vector<16xi32>
    %swap3A_203 = arith.constant 112 : index
    %swap3A_204 = tpu.vector_load %arg13[%swap3A_203] {strides = array<i32>} : memref<512xi32, #tpu.memory_space<vmem>>, vector<16xi32>,
    %swap3A_205 = vector.shape_cast %swap3A_204 : vector<16xi32> to vector<16xi32>
    %swap3A_206 = vector.shape_cast %and3A_202 : vector<16xi32> to vector<16xi32>
    tpu.vector_store %arg13[%swap3A_203], %swap3A_206 {strides = array<i32>} : memref<512xi32, #tpu.memory_space<vmem>>, vector<16xi32>,
    %get3A_207 = arith.constant 128 : index
    %get3A_208 = tpu.vector_load %arg12[%get3A_207] {strides = array<i32>} : memref<512xi32, #tpu.memory_space<vmem>>, vector<16xi32>,
    %get3A_209 = vector.shape_cast %get3A_208 : vector<16xi32> to vector<16xi32>
    %shift_right_logical3A_210 = arith.constant 1 : i32
    %shift_right_logical3A_211 = vector.broadcast %shift_right_logical3A_210 : i32 to vector<16xi32>
    %shift_right_logical3A_212 = arith.shrui %get3A_209, %shift_right_logical3A_211 : vector<16xi32>
    %and3A_213 = arith.constant 262143 : i32
    %and3A_214 = vector.broadcast %and3A_213 : i32 to vector<16xi32>
    %and3A_215 = arith.andi %shift_right_logical3A_212, %and3A_214 : vector<16xi32>
    %swap3A_216 = arith.constant 128 : index
    %swap3A_217 = tpu.vector_load %arg12[%swap3A_216] {strides = array<i32>} : memref<512xi32, #tpu.memory_space<vmem>>, vector<16xi32>,
    %swap3A_218 = vector.shape_cast %swap3A_217 : vector<16xi32> to vector<16xi32>
    %swap3A_219 = vector.shape_cast %and3A_215 : vector<16xi32> to vector<16xi32>
    tpu.vector_store %arg12[%swap3A_216], %swap3A_219 {strides = array<i32>} : memref<512xi32, #tpu.memory_space<vmem>>, vector<16xi32>,
    %get3A_220 = arith.constant 128 : index
    %get3A_221 = tpu.vector_load %arg13[%get3A_220] {strides = array<i32>} : memref<512xi32, #tpu.memory_space<vmem>>, vector<16xi32>,
    %get3A_222 = vector.shape_cast %get3A_221 : vector<16xi32> to vector<16xi32>
    %shift_right_logical3A_223 = arith.constant 1 : i32
    %shift_right_logical3A_224 = vector.broadcast %shift_right_logical3A_223 : i32 to vector<16xi32>
    %shift_right_logical3A_225 = arith.shrui %get3A_222, %shift_right_logical3A_224 : vector<16xi32>
    %and3A_226 = arith.constant 262143 : i32
    %and3A_227 = vector.broadcast %and3A_226 : i32 to vector<16xi32>
    %and3A_228 = arith.andi %shift_right_logical3A_225, %and3A_227 : vector<16xi32>
    %swap3A_229 = arith.constant 128 : index
    %swap3A_230 = tpu.vector_load %arg13[%swap3A_229] {strides = array<i32>} : memref<512xi32, #tpu.memory_space<vmem>>, vector<16xi32>,
    %swap3A_231 = vector.shape_cast %swap3A_230 : vector<16xi32> to vector<16xi32>
    %swap3A_232 = vector.shape_cast %and3A_228 : vector<16xi32> to vector<16xi32>
    tpu.vector_store %arg13[%swap3A_229], %swap3A_232 {strides = array<i32>} : memref<512xi32, #tpu.memory_space<vmem>>, vector<16xi32>,
    %get3A_233 = arith.constant 144 : index
    %get3A_234 = tpu.vector_load %arg12[%get3A_233] {strides = array<i32>} : memref<512xi32, #tpu.memory_space<vmem>>, vector<16xi32>,
    %get3A_235 = vector.shape_cast %get3A_234 : vector<16xi32> to vector<16xi32>
    %shift_right_logical3A_236 = arith.constant 1 : i32
    %shift_right_logical3A_237 = vector.broadcast %shift_right_logical3A_236 : i32 to vector<16xi32>
    %shift_right_logical3A_238 = arith.shrui %get3A_235, %shift_right_logical3A_237 : vector<16xi32>
    %and3A_239 = arith.constant 262143 : i32
    %and3A_240 = vector.broadcast %and3A_239 : i32 to vector<16xi32>
    %and3A_241 = arith.andi %shift_right_logical3A_238, %and3A_240 : vector<16xi32>
    %swap3A_242 = arith.constant 144 : index
    %swap3A_243 = tpu.vector_load %arg12[%swap3A_242] {strides = array<i32>} : memref<512xi32, #tpu.memory_space<vmem>>, vector<16xi32>,
    %swap3A_244 = vector.shape_cast %swap3A_243 : vector<16xi32> to vector<16xi32>
    %swap3A_245 = vector.shape_cast %and3A_241 : vector<16xi32> to vector<16xi32>
    tpu.vector_store %arg12[%swap3A_242], %swap3A_245 {strides = array<i32>} : memref<512xi32, #tpu.memory_space<vmem>>, vector<16xi32>,
    %get3A_246 = arith.constant 144 : index
    %get3A_247 = tpu.vector_load %arg13[%get3A_246] {strides = array<i32>} : memref<512xi32, #tpu.memory_space<vmem>>, vector<16xi32>,
    %get3A_248 = vector.shape_cast %get3A_247 : vector<16xi32> to vector<16xi32>
    %shift_right_logical3A_249 = arith.constant 1 : i32
    %shift_right_logical3A_250 = vector.broadcast %shift_right_logical3A_249 : i32 to vector<16xi32>
    %shift_right_logical3A_251 = arith.shrui %get3A_248, %shift_right_logical3A_250 : vector<16xi32>
    %and3A_252 = arith.constant 262143 : i32
    %and3A_253 = vector.broadcast %and3A_252 : i32 to vector<16xi32>
    %and3A_254 = arith.andi %shift_right_logical3A_251, %and3A_253 : vector<16xi32>
    %swap3A_255 = arith.constant 144 : index
    %swap3A_256 = tpu.vector_load %arg13[%swap3A_255] {strides = array<i32>} : memref<512xi32, #tpu.memory_space<vmem>>, vector<16xi32>,
    %swap3A_257 = vector.shape_cast %swap3A_256 : vector<16xi32> to vector<16xi32>
    %swap3A_258 = vector.shape_cast %and3A_254 : vector<16xi32> to vector<16xi32>
    tpu.vector_store %arg13[%swap3A_255], %swap3A_258 {strides = array<i32>} : memref<512xi32, #tpu.memory_space<vmem>>, vector<16xi32>,
    %get3A_259 = arith.constant 160 : index
    %get3A_260 = tpu.vector_load %arg12[%get3A_259] {strides = array<i32>} : memref<512xi32, #tpu.memory_space<vmem>>, vector<16xi32>,
    %get3A_261 = vector.shape_cast %get3A_260 : vector<16xi32> to vector<16xi32>
    %shift_right_logical3A_262 = arith.constant 1 : i32
    %shift_right_logical3A_263 = vector.broadcast %shift_right_logical3A_262 : i32 to vector<16xi32>
    %shift_right_logical3A_264 = arith.shrui %get3A_261, %shift_right_logical3A_263 : vector<16xi32>
    %and3A_265 = arith.constant 262143 : i32
    %and3A_266 = vector.broadcast %and3A_265 : i32 to vector<16xi32>
    %and3A_267 = arith.andi %shift_right_logical3A_264, %and3A_266 : vector<16xi32>
    %swap3A_268 = arith.constant 160 : index
    %swap3A_269 = tpu.vector_load %arg12[%swap3A_268] {strides = array<i32>} : memref<512xi32, #tpu.memory_space<vmem>>, vector<16xi32>,
    %swap3A_270 = vector.shape_cast %swap3A_269 : vector<16xi32> to vector<16xi32>
    %swap3A_271 = vector.shape_cast %and3A_267 : vector<16xi32> to vector<16xi32>
    tpu.vector_store %arg12[%swap3A_268], %swap3A_271 {strides = array<i32>} : memref<512xi32, #tpu.memory_space<vmem>>, vector<16xi32>,
    %get3A_272 = arith.constant 160 : index
    %get3A_273 = tpu.vector_load %arg13[%get3A_272] {strides = array<i32>} : memref<512xi32, #tpu.memory_space<vmem>>, vector<16xi32>,
    %get3A_274 = vector.shape_cast %get3A_273 : vector<16xi32> to vector<16xi32>
    %shift_right_logical3A_275 = arith.constant 1 : i32
    %shift_right_logical3A_276 = vector.broadcast %shift_right_logical3A_275 : i32 to vector<16xi32>
    %shift_right_logical3A_277 = arith.shrui %get3A_274, %shift_right_logical3A_276 : vector<16xi32>
    %and3A_278 = arith.constant 262143 : i32
    %and3A_279 = vector.broadcast %and3A_278 : i32 to vector<16xi32>
    %and3A_280 = arith.andi %shift_right_logical3A_277, %and3A_279 : vector<16xi32>
    %swap3A_281 = arith.constant 160 : index
    %swap3A_282 = tpu.vector_load %arg13[%swap3A_281] {strides = array<i32>} : memref<512xi32, #tpu.memory_space<vmem>>, vector<16xi32>,
    %swap3A_283 = vector.shape_cast %swap3A_282 : vector<16xi32> to vector<16xi32>
    %swap3A_284 = vector.shape_cast %and3A_280 : vector<16xi32> to vector<16xi32>
    tpu.vector_store %arg13[%swap3A_281], %swap3A_284 {strides = array<i32>} : memref<512xi32, #tpu.memory_space<vmem>>, vector<16xi32>,
    %get3A_285 = arith.constant 176 : index
    %get3A_286 = tpu.vector_load %arg12[%get3A_285] {strides = array<i32>} : memref<512xi32, #tpu.memory_space<vmem>>, vector<16xi32>,
    %get3A_287 = vector.shape_cast %get3A_286 : vector<16xi32> to vector<16xi32>
    %shift_right_logical3A_288 = arith.constant 1 : i32
    %shift_right_logical3A_289 = vector.broadcast %shift_right_logical3A_288 : i32 to vector<16xi32>
    %shift_right_logical3A_290 = arith.shrui %get3A_287, %shift_right_logical3A_289 : vector<16xi32>
    %and3A_291 = arith.constant 262143 : i32
    %and3A_292 = vector.broadcast %and3A_291 : i32 to vector<16xi32>
    %and3A_293 = arith.andi %shift_right_logical3A_290, %and3A_292 : vector<16xi32>
    %swap3A_294 = arith.constant 176 : index
    %swap3A_295 = tpu.vector_load %arg12[%swap3A_294] {strides = array<i32>} : memref<512xi32, #tpu.memory_space<vmem>>, vector<16xi32>,
    %swap3A_296 = vector.shape_cast %swap3A_295 : vector<16xi32> to vector<16xi32>
    %swap3A_297 = vector.shape_cast %and3A_293 : vector<16xi32> to vector<16xi32>
    tpu.vector_store %arg12[%swap3A_294], %swap3A_297 {strides = array<i32>} : memref<512xi32, #tpu.memory_space<vmem>>, vector<16xi32>,
    %get3A_298 = arith.constant 176 : index
    %get3A_299 = tpu.vector_load %arg13[%get3A_298] {strides = array<i32>} : memref<512xi32, #tpu.memory_space<vmem>>, vector<16xi32>,
    %get3A_300 = vector.shape_cast %get3A_299 : vector<16xi32> to vector<16xi32>
    %shift_right_logical3A_301 = arith.constant 1 : i32
    %shift_right_logical3A_302 = vector.broadcast %shift_right_logical3A_301 : i32 to vector<16xi32>
    %shift_right_logical3A_303 = arith.shrui %get3A_300, %shift_right_logical3A_302 : vector<16xi32>
    %and3A_304 = arith.constant 262143 : i32
    %and3A_305 = vector.broadcast %and3A_304 : i32 to vector<16xi32>
    %and3A_306 = arith.andi %shift_right_logical3A_303, %and3A_305 : vector<16xi32>
    %swap3A_307 = arith.constant 176 : index
    %swap3A_308 = tpu.vector_load %arg13[%swap3A_307] {strides = array<i32>} : memref<512xi32, #tpu.memory_space<vmem>>, vector<16xi32>,
    %swap3A_309 = vector.shape_cast %swap3A_308 : vector<16xi32> to vector<16xi32>
    %swap3A_310 = vector.shape_cast %and3A_306 : vector<16xi32> to vector<16xi32>
    tpu.vector_store %arg13[%swap3A_307], %swap3A_310 {strides = array<i32>} : memref<512xi32, #tpu.memory_space<vmem>>, vector<16xi32>,
    %get3A_311 = arith.constant 192 : index
    %get3A_312 = tpu.vector_load %arg12[%get3A_311] {strides = array<i32>} : memref<512xi32, #tpu.memory_space<vmem>>, vector<16xi32>,
    %get3A_313 = vector.shape_cast %get3A_312 : vector<16xi32> to vector<16xi32>
    %shift_right_logical3A_314 = arith.constant 1 : i32
    %shift_right_logical3A_315 = vector.broadcast %shift_right_logical3A_314 : i32 to vector<16xi32>
    %shift_right_logical3A_316 = arith.shrui %get3A_313, %shift_right_logical3A_315 : vector<16xi32>
    %and3A_317 = arith.constant 262143 : i32
    %and3A_318 = vector.broadcast %and3A_317 : i32 to vector<16xi32>
    %and3A_319 = arith.andi %shift_right_logical3A_316, %and3A_318 : vector<16xi32>
    %swap3A_320 = arith.constant 192 : index
    %swap3A_321 = tpu.vector_load %arg12[%swap3A_320] {strides = array<i32>} : memref<512xi32, #tpu.memory_space<vmem>>, vector<16xi32>,
    %swap3A_322 = vector.shape_cast %swap3A_321 : vector<16xi32> to vector<16xi32>
    %swap3A_323 = vector.shape_cast %and3A_319 : vector<16xi32> to vector<16xi32>
    tpu.vector_store %arg12[%swap3A_320], %swap3A_323 {strides = array<i32>} : memref<512xi32, #tpu.memory_space<vmem>>, vector<16xi32>,
    %get3A_324 = arith.constant 192 : index
    %get3A_325 = tpu.vector_load %arg13[%get3A_324] {strides = array<i32>} : memref<512xi32, #tpu.memory_space<vmem>>, vector<16xi32>,
    %get3A_326 = vector.shape_cast %get3A_325 : vector<16xi32> to vector<16xi32>
    %shift_right_logical3A_327 = arith.constant 1 : i32
    %shift_right_logical3A_328 = vector.broadcast %shift_right_logical3A_327 : i32 to vector<16xi32>
    %shift_right_logical3A_329 = arith.shrui %get3A_326, %shift_right_logical3A_328 : vector<16xi32>
    %and3A_330 = arith.constant 262143 : i32
    %and3A_331 = vector.broadcast %and3A_330 : i32 to vector<16xi32>
    %and3A_332 = arith.andi %shift_right_logical3A_329, %and3A_331 : vector<16xi32>
    %swap3A_333 = arith.constant 192 : index
    %swap3A_334 = tpu.vector_load %arg13[%swap3A_333] {strides = array<i32>} : memref<512xi32, #tpu.memory_space<vmem>>, vector<16xi32>,
    %swap3A_335 = vector.shape_cast %swap3A_334 : vector<16xi32> to vector<16xi32>
    %swap3A_336 = vector.shape_cast %and3A_332 : vector<16xi32> to vector<16xi32>
    tpu.vector_store %arg13[%swap3A_333], %swap3A_336 {strides = array<i32>} : memref<512xi32, #tpu.memory_space<vmem>>, vector<16xi32>,
    %get3A_337 = arith.constant 208 : index
    %get3A_338 = tpu.vector_load %arg12[%get3A_337] {strides = array<i32>} : memref<512xi32, #tpu.memory_space<vmem>>, vector<16xi32>,
    %get3A_339 = vector.shape_cast %get3A_338 : vector<16xi32> to vector<16xi32>
    %shift_right_logical3A_340 = arith.constant 1 : i32
    %shift_right_logical3A_341 = vector.broadcast %shift_right_logical3A_340 : i32 to vector<16xi32>
    %shift_right_logical3A_342 = arith.shrui %get3A_339, %shift_right_logical3A_341 : vector<16xi32>
    %and3A_343 = arith.constant 262143 : i32
    %and3A_344 = vector.broadcast %and3A_343 : i32 to vector<16xi32>
    %and3A_345 = arith.andi %shift_right_logical3A_342, %and3A_344 : vector<16xi32>
    %swap3A_346 = arith.constant 208 : index
    %swap3A_347 = tpu.vector_load %arg12[%swap3A_346] {strides = array<i32>} : memref<512xi32, #tpu.memory_space<vmem>>, vector<16xi32>,
    %swap3A_348 = vector.shape_cast %swap3A_347 : vector<16xi32> to vector<16xi32>
    %swap3A_349 = vector.shape_cast %and3A_345 : vector<16xi32> to vector<16xi32>
    tpu.vector_store %arg12[%swap3A_346], %swap3A_349 {strides = array<i32>} : memref<512xi32, #tpu.memory_space<vmem>>, vector<16xi32>,
    %get3A_350 = arith.constant 208 : index
    %get3A_351 = tpu.vector_load %arg13[%get3A_350] {strides = array<i32>} : memref<512xi32, #tpu.memory_space<vmem>>, vector<16xi32>,
    %get3A_352 = vector.shape_cast %get3A_351 : vector<16xi32> to vector<16xi32>
    %shift_right_logical3A_353 = arith.constant 1 : i32
    %shift_right_logical3A_354 = vector.broadcast %shift_right_logical3A_353 : i32 to vector<16xi32>
    %shift_right_logical3A_355 = arith.shrui %get3A_352, %shift_right_logical3A_354 : vector<16xi32>
    %and3A_356 = arith.constant 262143 : i32
    %and3A_357 = vector.broadcast %and3A_356 : i32 to vector<16xi32>
    %and3A_358 = arith.andi %shift_right_logical3A_355, %and3A_357 : vector<16xi32>
    %swap3A_359 = arith.constant 208 : index
    %swap3A_360 = tpu.vector_load %arg13[%swap3A_359] {strides = array<i32>} : memref<512xi32, #tpu.memory_space<vmem>>, vector<16xi32>,
    %swap3A_361 = vector.shape_cast %swap3A_360 : vector<16xi32> to vector<16xi32>
    %swap3A_362 = vector.shape_cast %and3A_358 : vector<16xi32> to vector<16xi32>
    tpu.vector_store %arg13[%swap3A_359], %swap3A_362 {strides = array<i32>} : memref<512xi32, #tpu.memory_space<vmem>>, vector<16xi32>,
    %get3A_363 = arith.constant 224 : index
    %get3A_364 = tpu.vector_load %arg12[%get3A_363] {strides = array<i32>} : memref<512xi32, #tpu.memory_space<vmem>>, vector<16xi32>,
    %get3A_365 = vector.shape_cast %get3A_364 : vector<16xi32> to vector<16xi32>
    %shift_right_logical3A_366 = arith.constant 1 : i32
    %shift_right_logical3A_367 = vector.broadcast %shift_right_logical3A_366 : i32 to vector<16xi32>
    %shift_right_logical3A_368 = arith.shrui %get3A_365, %shift_right_logical3A_367 : vector<16xi32>
    %and3A_369 = arith.constant 262143 : i32
    %and3A_370 = vector.broadcast %and3A_369 : i32 to vector<16xi32>
    %and3A_371 = arith.andi %shift_right_logical3A_368, %and3A_370 : vector<16xi32>
    %swap3A_372 = arith.constant 224 : index
    %swap3A_373 = tpu.vector_load %arg12[%swap3A_372] {strides = array<i32>} : memref<512xi32, #tpu.memory_space<vmem>>, vector<16xi32>,
    %swap3A_374 = vector.shape_cast %swap3A_373 : vector<16xi32> to vector<16xi32>
    %swap3A_375 = vector.shape_cast %and3A_371 : vector<16xi32> to vector<16xi32>
    tpu.vector_store %arg12[%swap3A_372], %swap3A_375 {strides = array<i32>} : memref<512xi32, #tpu.memory_space<vmem>>, vector<16xi32>,
    %get3A_376 = arith.constant 224 : index
    %get3A_377 = tpu.vector_load %arg13[%get3A_376] {strides = array<i32>} : memref<512xi32, #tpu.memory_space<vmem>>, vector<16xi32>,
    %get3A_378 = vector.shape_cast %get3A_377 : vector<16xi32> to vector<16xi32>
    %shift_right_logical3A_379 = arith.constant 1 : i32
    %shift_right_logical3A_380 = vector.broadcast %shift_right_logical3A_379 : i32 to vector<16xi32>
    %shift_right_logical3A_381 = arith.shrui %get3A_378, %shift_right_logical3A_380 : vector<16xi32>
    %and3A_382 = arith.constant 262143 : i32
    %and3A_383 = vector.broadcast %and3A_382 : i32 to vector<16xi32>
    %and3A_384 = arith.andi %shift_right_logical3A_381, %and3A_383 : vector<16xi32>
    %swap3A_385 = arith.constant 224 : index
    %swap3A_386 = tpu.vector_load %arg13[%swap3A_385] {strides = array<i32>} : memref<512xi32, #tpu.memory_space<vmem>>, vector<16xi32>,
    %swap3A_387 = vector.shape_cast %swap3A_386 : vector<16xi32> to vector<16xi32>
    %swap3A_388 = vector.shape_cast %and3A_384 : vector<16xi32> to vector<16xi32>
    tpu.vector_store %arg13[%swap3A_385], %swap3A_388 {strides = array<i32>} : memref<512xi32, #tpu.memory_space<vmem>>, vector<16xi32>,
    %get3A_389 = arith.constant 240 : index
    %get3A_390 = tpu.vector_load %arg12[%get3A_389] {strides = array<i32>} : memref<512xi32, #tpu.memory_space<vmem>>, vector<16xi32>,
    %get3A_391 = vector.shape_cast %get3A_390 : vector<16xi32> to vector<16xi32>
    %shift_right_logical3A_392 = arith.constant 1 : i32
    %shift_right_logical3A_393 = vector.broadcast %shift_right_logical3A_392 : i32 to vector<16xi32>
    %shift_right_logical3A_394 = arith.shrui %get3A_391, %shift_right_logical3A_393 : vector<16xi32>
    %and3A_395 = arith.constant 262143 : i32
    %and3A_396 = vector.broadcast %and3A_395 : i32 to vector<16xi32>
    %and3A_397 = arith.andi %shift_right_logical3A_394, %and3A_396 : vector<16xi32>
    %swap3A_398 = arith.constant 240 : index
    %swap3A_399 = tpu.vector_load %arg12[%swap3A_398] {strides = array<i32>} : memref<512xi32, #tpu.memory_space<vmem>>, vector<16xi32>,
    %swap3A_400 = vector.shape_cast %swap3A_399 : vector<16xi32> to vector<16xi32>
    %swap3A_401 = vector.shape_cast %and3A_397 : vector<16xi32> to vector<16xi32>
    tpu.vector_store %arg12[%swap3A_398], %swap3A_401 {strides = array<i32>} : memref<512xi32, #tpu.memory_space<vmem>>, vector<16xi32>,
    %get3A_402 = arith.constant 240 : index
    %get3A_403 = tpu.vector_load %arg13[%get3A_402] {strides = array<i32>} : memref<512xi32, #tpu.memory_space<vmem>>, vector<16xi32>,
    %get3A_404 = vector.shape_cast %get3A_403 : vector<16xi32> to vector<16xi32>
    %shift_right_logical3A_405 = arith.constant 1 : i32
    %shift_right_logical3A_406 = vector.broadcast %shift_right_logical3A_405 : i32 to vector<16xi32>
    %shift_right_logical3A_407 = arith.shrui %get3A_404, %shift_right_logical3A_406 : vector<16xi32>
    %and3A_408 = arith.constant 262143 : i32
    %and3A_409 = vector.broadcast %and3A_408 : i32 to vector<16xi32>
    %and3A_410 = arith.andi %shift_right_logical3A_407, %and3A_409 : vector<16xi32>
    %swap3A_411 = arith.constant 240 : index
    %swap3A_412 = tpu.vector_load %arg13[%swap3A_411] {strides = array<i32>} : memref<512xi32, #tpu.memory_space<vmem>>, vector<16xi32>,
    %swap3A_413 = vector.shape_cast %swap3A_412 : vector<16xi32> to vector<16xi32>
    %swap3A_414 = vector.shape_cast %and3A_410 : vector<16xi32> to vector<16xi32>
    tpu.vector_store %arg13[%swap3A_411], %swap3A_414 {strides = array<i32>} : memref<512xi32, #tpu.memory_space<vmem>>, vector<16xi32>,
    %get3A_415 = arith.constant 256 : index
    %get3A_416 = tpu.vector_load %arg12[%get3A_415] {strides = array<i32>} : memref<512xi32, #tpu.memory_space<vmem>>, vector<16xi32>,
    %get3A_417 = vector.shape_cast %get3A_416 : vector<16xi32> to vector<16xi32>
    %shift_right_logical3A_418 = arith.constant 1 : i32
    %shift_right_logical3A_419 = vector.broadcast %shift_right_logical3A_418 : i32 to vector<16xi32>
    %shift_right_logical3A_420 = arith.shrui %get3A_417, %shift_right_logical3A_419 : vector<16xi32>
    %and3A_421 = arith.constant 262143 : i32
    %and3A_422 = vector.broadcast %and3A_421 : i32 to vector<16xi32>
    %and3A_423 = arith.andi %shift_right_logical3A_420, %and3A_422 : vector<16xi32>
    %swap3A_424 = arith.constant 256 : index
    %swap3A_425 = tpu.vector_load %arg12[%swap3A_424] {strides = array<i32>} : memref<512xi32, #tpu.memory_space<vmem>>, vector<16xi32>,
    %swap3A_426 = vector.shape_cast %swap3A_425 : vector<16xi32> to vector<16xi32>
    %swap3A_427 = vector.shape_cast %and3A_423 : vector<16xi32> to vector<16xi32>
    tpu.vector_store %arg12[%swap3A_424], %swap3A_427 {strides = array<i32>} : memref<512xi32, #tpu.memory_space<vmem>>, vector<16xi32>,
    %get3A_428 = arith.constant 256 : index
    %get3A_429 = tpu.vector_load %arg13[%get3A_428] {strides = array<i32>} : memref<512xi32, #tpu.memory_space<vmem>>, vector<16xi32>,
    %get3A_430 = vector.shape_cast %get3A_429 : vector<16xi32> to vector<16xi32>
    %shift_right_logical3A_431 = arith.constant 1 : i32
    %shift_right_logical3A_432 = vector.broadcast %shift_right_logical3A_431 : i32 to vector<16xi32>
    %shift_right_logical3A_433 = arith.shrui %get3A_430, %shift_right_logical3A_432 : vector<16xi32>
    %and3A_434 = arith.constant 262143 : i32
    %and3A_435 = vector.broadcast %and3A_434 : i32 to vector<16xi32>
    %and3A_436 = arith.andi %shift_right_logical3A_433, %and3A_435 : vector<16xi32>
    %swap3A_437 = arith.constant 256 : index
    %swap3A_438 = tpu.vector_load %arg13[%swap3A_437] {strides = array<i32>} : memref<512xi32, #tpu.memory_space<vmem>>, vector<16xi32>,
    %swap3A_439 = vector.shape_cast %swap3A_438 : vector<16xi32> to vector<16xi32>
    %swap3A_440 = vector.shape_cast %and3A_436 : vector<16xi32> to vector<16xi32>
    tpu.vector_store %arg13[%swap3A_437], %swap3A_440 {strides = array<i32>} : memref<512xi32, #tpu.memory_space<vmem>>, vector<16xi32>,
    %get3A_441 = arith.constant 272 : index
    %get3A_442 = tpu.vector_load %arg12[%get3A_441] {strides = array<i32>} : memref<512xi32, #tpu.memory_space<vmem>>, vector<16xi32>,
    %get3A_443 = vector.shape_cast %get3A_442 : vector<16xi32> to vector<16xi32>
    %shift_right_logical3A_444 = arith.constant 1 : i32
    %shift_right_logical3A_445 = vector.broadcast %shift_right_logical3A_444 : i32 to vector<16xi32>
    %shift_right_logical3A_446 = arith.shrui %get3A_443, %shift_right_logical3A_445 : vector<16xi32>
    %and3A_447 = arith.constant 262143 : i32
    %and3A_448 = vector.broadcast %and3A_447 : i32 to vector<16xi32>
    %and3A_449 = arith.andi %shift_right_logical3A_446, %and3A_448 : vector<16xi32>
    %swap3A_450 = arith.constant 272 : index
    %swap3A_451 = tpu.vector_load %arg12[%swap3A_450] {strides = array<i32>} : memref<512xi32, #tpu.memory_space<vmem>>, vector<16xi32>,
    %swap3A_452 = vector.shape_cast %swap3A_451 : vector<16xi32> to vector<16xi32>
    %swap3A_453 = vector.shape_cast %and3A_449 : vector<16xi32> to vector<16xi32>
    tpu.vector_store %arg12[%swap3A_450], %swap3A_453 {strides = array<i32>} : memref<512xi32, #tpu.memory_space<vmem>>, vector<16xi32>,
    %get3A_454 = arith.constant 272 : index
    %get3A_455 = tpu.vector_load %arg13[%get3A_454] {strides = array<i32>} : memref<512xi32, #tpu.memory_space<vmem>>, vector<16xi32>,
    %get3A_456 = vector.shape_cast %get3A_455 : vector<16xi32> to vector<16xi32>
    %shift_right_logical3A_457 = arith.constant 1 : i32
    %shift_right_logical3A_458 = vector.broadcast %shift_right_logical3A_457 : i32 to vector<16xi32>
    %shift_right_logical3A_459 = arith.shrui %get3A_456, %shift_right_logical3A_458 : vector<16xi32>
    %and3A_460 = arith.constant 262143 : i32
    %and3A_461 = vector.broadcast %and3A_460 : i32 to vector<16xi32>
    %and3A_462 = arith.andi %shift_right_logical3A_459, %and3A_461 : vector<16xi32>
    %swap3A_463 = arith.constant 272 : index
    %swap3A_464 = tpu.vector_load %arg13[%swap3A_463] {strides = array<i32>} : memref<512xi32, #tpu.memory_space<vmem>>, vector<16xi32>,
    %swap3A_465 = vector.shape_cast %swap3A_464 : vector<16xi32> to vector<16xi32>
    %swap3A_466 = vector.shape_cast %and3A_462 : vector<16xi32> to vector<16xi32>
    tpu.vector_store %arg13[%swap3A_463], %swap3A_466 {strides = array<i32>} : memref<512xi32, #tpu.memory_space<vmem>>, vector<16xi32>,
    %get3A_467 = arith.constant 288 : index
    %get3A_468 = tpu.vector_load %arg12[%get3A_467] {strides = array<i32>} : memref<512xi32, #tpu.memory_space<vmem>>, vector<16xi32>,
    %get3A_469 = vector.shape_cast %get3A_468 : vector<16xi32> to vector<16xi32>
    %shift_right_logical3A_470 = arith.constant 1 : i32
    %shift_right_logical3A_471 = vector.broadcast %shift_right_logical3A_470 : i32 to vector<16xi32>
    %shift_right_logical3A_472 = arith.shrui %get3A_469, %shift_right_logical3A_471 : vector<16xi32>
    %and3A_473 = arith.constant 262143 : i32
    %and3A_474 = vector.broadcast %and3A_473 : i32 to vector<16xi32>
    %and3A_475 = arith.andi %shift_right_logical3A_472, %and3A_474 : vector<16xi32>
    %swap3A_476 = arith.constant 288 : index
    %swap3A_477 = tpu.vector_load %arg12[%swap3A_476] {strides = array<i32>} : memref<512xi32, #tpu.memory_space<vmem>>, vector<16xi32>,
    %swap3A_478 = vector.shape_cast %swap3A_477 : vector<16xi32> to vector<16xi32>
    %swap3A_479 = vector.shape_cast %and3A_475 : vector<16xi32> to vector<16xi32>
    tpu.vector_store %arg12[%swap3A_476], %swap3A_479 {strides = array<i32>} : memref<512xi32, #tpu.memory_space<vmem>>, vector<16xi32>,
    %get3A_480 = arith.constant 288 : index
    %get3A_481 = tpu.vector_load %arg13[%get3A_480] {strides = array<i32>} : memref<512xi32, #tpu.memory_space<vmem>>, vector<16xi32>,
    %get3A_482 = vector.shape_cast %get3A_481 : vector<16xi32> to vector<16xi32>
    %shift_right_logical3A_483 = arith.constant 1 : i32
    %shift_right_logical3A_484 = vector.broadcast %shift_right_logical3A_483 : i32 to vector<16xi32>
    %shift_right_logical3A_485 = arith.shrui %get3A_482, %shift_right_logical3A_484 : vector<16xi32>
    %and3A_486 = arith.constant 262143 : i32
    %and3A_487 = vector.broadcast %and3A_486 : i32 to vector<16xi32>
    %and3A_488 = arith.andi %shift_right_logical3A_485, %and3A_487 : vector<16xi32>
    %swap3A_489 = arith.constant 288 : index
    %swap3A_490 = tpu.vector_load %arg13[%swap3A_489] {strides = array<i32>} : memref<512xi32, #tpu.memory_space<vmem>>, vector<16xi32>,
    %swap3A_491 = vector.shape_cast %swap3A_490 : vector<16xi32> to vector<16xi32>
    %swap3A_492 = vector.shape_cast %and3A_488 : vector<16xi32> to vector<16xi32>
    tpu.vector_store %arg13[%swap3A_489], %swap3A_492 {strides = array<i32>} : memref<512xi32, #tpu.memory_space<vmem>>, vector<16xi32>,
    %get3A_493 = arith.constant 304 : index
    %get3A_494 = tpu.vector_load %arg12[%get3A_493] {strides = array<i32>} : memref<512xi32, #tpu.memory_space<vmem>>, vector<16xi32>,
    %get3A_495 = vector.shape_cast %get3A_494 : vector<16xi32> to vector<16xi32>
    %shift_right_logical3A_496 = arith.constant 1 : i32
    %shift_right_logical3A_497 = vector.broadcast %shift_right_logical3A_496 : i32 to vector<16xi32>
    %shift_right_logical3A_498 = arith.shrui %get3A_495, %shift_right_logical3A_497 : vector<16xi32>
    %and3A_499 = arith.constant 262143 : i32
    %and3A_500 = vector.broadcast %and3A_499 : i32 to vector<16xi32>
    %and3A_501 = arith.andi %shift_right_logical3A_498, %and3A_500 : vector<16xi32>
    %swap3A_502 = arith.constant 304 : index
    %swap3A_503 = tpu.vector_load %arg12[%swap3A_502] {strides = array<i32>} : memref<512xi32, #tpu.memory_space<vmem>>, vector<16xi32>,
    %swap3A_504 = vector.shape_cast %swap3A_503 : vector<16xi32> to vector<16xi32>
    %swap3A_505 = vector.shape_cast %and3A_501 : vector<16xi32> to vector<16xi32>
    tpu.vector_store %arg12[%swap3A_502], %swap3A_505 {strides = array<i32>} : memref<512xi32, #tpu.memory_space<vmem>>, vector<16xi32>,
    %get3A_506 = arith.constant 304 : index
    %get3A_507 = tpu.vector_load %arg13[%get3A_506] {strides = array<i32>} : memref<512xi32, #tpu.memory_space<vmem>>, vector<16xi32>,
    %get3A_508 = vector.shape_cast %get3A_507 : vector<16xi32> to vector<16xi32>
    %shift_right_logical3A_509 = arith.constant 1 : i32
    %shift_right_logical3A_510 = vector.broadcast %shift_right_logical3A_509 : i32 to vector<16xi32>
    %shift_right_logical3A_511 = arith.shrui %get3A_508, %shift_right_logical3A_510 : vector<16xi32>
    %and3A_512 = arith.constant 262143 : i32
    %and3A_513 = vector.broadcast %and3A_512 : i32 to vector<16xi32>
    %and3A_514 = arith.andi %shift_right_logical3A_511, %and3A_513 : vector<16xi32>
    %swap3A_515 = arith.constant 304 : index
    %swap3A_516 = tpu.vector_load %arg13[%swap3A_515] {strides = array<i32>} : memref<512xi32, #tpu.memory_space<vmem>>, vector<16xi32>,
    %swap3A_517 = vector.shape_cast %swap3A_516 : vector<16xi32> to vector<16xi32>
    %swap3A_518 = vector.shape_cast %and3A_514 : vector<16xi32> to vector<16xi32>
    tpu.vector_store %arg13[%swap3A_515], %swap3A_518 {strides = array<i32>} : memref<512xi32, #tpu.memory_space<vmem>>, vector<16xi32>,
    %get3A_519 = arith.constant 320 : index
    %get3A_520 = tpu.vector_load %arg12[%get3A_519] {strides = array<i32>} : memref<512xi32, #tpu.memory_space<vmem>>, vector<16xi32>,
    %get3A_521 = vector.shape_cast %get3A_520 : vector<16xi32> to vector<16xi32>
    %shift_right_logical3A_522 = arith.constant 1 : i32
    %shift_right_logical3A_523 = vector.broadcast %shift_right_logical3A_522 : i32 to vector<16xi32>
    %shift_right_logical3A_524 = arith.shrui %get3A_521, %shift_right_logical3A_523 : vector<16xi32>
    %and3A_525 = arith.constant 262143 : i32
    %and3A_526 = vector.broadcast %and3A_525 : i32 to vector<16xi32>
    %and3A_527 = arith.andi %shift_right_logical3A_524, %and3A_526 : vector<16xi32>
    %swap3A_528 = arith.constant 320 : index
    %swap3A_529 = tpu.vector_load %arg12[%swap3A_528] {strides = array<i32>} : memref<512xi32, #tpu.memory_space<vmem>>, vector<16xi32>,
    %swap3A_530 = vector.shape_cast %swap3A_529 : vector<16xi32> to vector<16xi32>
    %swap3A_531 = vector.shape_cast %and3A_527 : vector<16xi32> to vector<16xi32>
    tpu.vector_store %arg12[%swap3A_528], %swap3A_531 {strides = array<i32>} : memref<512xi32, #tpu.memory_space<vmem>>, vector<16xi32>,
    %get3A_532 = arith.constant 320 : index
    %get3A_533 = tpu.vector_load %arg13[%get3A_532] {strides = array<i32>} : memref<512xi32, #tpu.memory_space<vmem>>, vector<16xi32>,
    %get3A_534 = vector.shape_cast %get3A_533 : vector<16xi32> to vector<16xi32>
    %shift_right_logical3A_535 = arith.constant 1 : i32
    %shift_right_logical3A_536 = vector.broadcast %shift_right_logical3A_535 : i32 to vector<16xi32>
    %shift_right_logical3A_537 = arith.shrui %get3A_534, %shift_right_logical3A_536 : vector<16xi32>
    %and3A_538 = arith.constant 262143 : i32
    %and3A_539 = vector.broadcast %and3A_538 : i32 to vector<16xi32>
    %and3A_540 = arith.andi %shift_right_logical3A_537, %and3A_539 : vector<16xi32>
    %swap3A_541 = arith.constant 320 : index
    %swap3A_542 = tpu.vector_load %arg13[%swap3A_541] {strides = array<i32>} : memref<512xi32, #tpu.memory_space<vmem>>, vector<16xi32>,
    %swap3A_543 = vector.shape_cast %swap3A_542 : vector<16xi32> to vector<16xi32>
    %swap3A_544 = vector.shape_cast %and3A_540 : vector<16xi32> to vector<16xi32>
    tpu.vector_store %arg13[%swap3A_541], %swap3A_544 {strides = array<i32>} : memref<512xi32, #tpu.memory_space<vmem>>, vector<16xi32>,
    %get3A_545 = arith.constant 336 : index
    %get3A_546 = tpu.vector_load %arg12[%get3A_545] {strides = array<i32>} : memref<512xi32, #tpu.memory_space<vmem>>, vector<16xi32>,
    %get3A_547 = vector.shape_cast %get3A_546 : vector<16xi32> to vector<16xi32>
    %shift_right_logical3A_548 = arith.constant 1 : i32
    %shift_right_logical3A_549 = vector.broadcast %shift_right_logical3A_548 : i32 to vector<16xi32>
    %shift_right_logical3A_550 = arith.shrui %get3A_547, %shift_right_logical3A_549 : vector<16xi32>
    %and3A_551 = arith.constant 262143 : i32
    %and3A_552 = vector.broadcast %and3A_551 : i32 to vector<16xi32>
    %and3A_553 = arith.andi %shift_right_logical3A_550, %and3A_552 : vector<16xi32>
    %swap3A_554 = arith.constant 336 : index
    %swap3A_555 = tpu.vector_load %arg12[%swap3A_554] {strides = array<i32>} : memref<512xi32, #tpu.memory_space<vmem>>, vector<16xi32>,
    %swap3A_556 = vector.shape_cast %swap3A_555 : vector<16xi32> to vector<16xi32>
    %swap3A_557 = vector.shape_cast %and3A_553 : vector<16xi32> to vector<16xi32>
    tpu.vector_store %arg12[%swap3A_554], %swap3A_557 {strides = array<i32>} : memref<512xi32, #tpu.memory_space<vmem>>, vector<16xi32>,
    %get3A_558 = arith.constant 336 : index
    %get3A_559 = tpu.vector_load %arg13[%get3A_558] {strides = array<i32>} : memref<512xi32, #tpu.memory_space<vmem>>, vector<16xi32>,
    %get3A_560 = vector.shape_cast %get3A_559 : vector<16xi32> to vector<16xi32>
    %shift_right_logical3A_561 = arith.constant 1 : i32
    %shift_right_logical3A_562 = vector.broadcast %shift_right_logical3A_561 : i32 to vector<16xi32>
    %shift_right_logical3A_563 = arith.shrui %get3A_560, %shift_right_logical3A_562 : vector<16xi32>
    %and3A_564 = arith.constant 262143 : i32
    %and3A_565 = vector.broadcast %and3A_564 : i32 to vector<16xi32>
    %and3A_566 = arith.andi %shift_right_logical3A_563, %and3A_565 : vector<16xi32>
    %swap3A_567 = arith.constant 336 : index
    %swap3A_568 = tpu.vector_load %arg13[%swap3A_567] {strides = array<i32>} : memref<512xi32, #tpu.memory_space<vmem>>, vector<16xi32>,
    %swap3A_569 = vector.shape_cast %swap3A_568 : vector<16xi32> to vector<16xi32>
    %swap3A_570 = vector.shape_cast %and3A_566 : vector<16xi32> to vector<16xi32>
    tpu.vector_store %arg13[%swap3A_567], %swap3A_570 {strides = array<i32>} : memref<512xi32, #tpu.memory_space<vmem>>, vector<16xi32>,
    %get3A_571 = arith.constant 352 : index
    %get3A_572 = tpu.vector_load %arg12[%get3A_571] {strides = array<i32>} : memref<512xi32, #tpu.memory_space<vmem>>, vector<16xi32>,
    %get3A_573 = vector.shape_cast %get3A_572 : vector<16xi32> to vector<16xi32>
    %shift_right_logical3A_574 = arith.constant 1 : i32
    %shift_right_logical3A_575 = vector.broadcast %shift_right_logical3A_574 : i32 to vector<16xi32>
    %shift_right_logical3A_576 = arith.shrui %get3A_573, %shift_right_logical3A_575 : vector<16xi32>
    %and3A_577 = arith.constant 262143 : i32
    %and3A_578 = vector.broadcast %and3A_577 : i32 to vector<16xi32>
    %and3A_579 = arith.andi %shift_right_logical3A_576, %and3A_578 : vector<16xi32>
    %swap3A_580 = arith.constant 352 : index
    %swap3A_581 = tpu.vector_load %arg12[%swap3A_580] {strides = array<i32>} : memref<512xi32, #tpu.memory_space<vmem>>, vector<16xi32>,
    %swap3A_582 = vector.shape_cast %swap3A_581 : vector<16xi32> to vector<16xi32>
    %swap3A_583 = vector.shape_cast %and3A_579 : vector<16xi32> to vector<16xi32>
    tpu.vector_store %arg12[%swap3A_580], %swap3A_583 {strides = array<i32>} : memref<512xi32, #tpu.memory_space<vmem>>, vector<16xi32>,
    %get3A_584 = arith.constant 352 : index
    %get3A_585 = tpu.vector_load %arg13[%get3A_584] {strides = array<i32>} : memref<512xi32, #tpu.memory_space<vmem>>, vector<16xi32>,
    %get3A_586 = vector.shape_cast %get3A_585 : vector<16xi32> to vector<16xi32>
    %shift_right_logical3A_587 = arith.constant 1 : i32
    %shift_right_logical3A_588 = vector.broadcast %shift_right_logical3A_587 : i32 to vector<16xi32>
    %shift_right_logical3A_589 = arith.shrui %get3A_586, %shift_right_logical3A_588 : vector<16xi32>
    %and3A_590 = arith.constant 262143 : i32
    %and3A_591 = vector.broadcast %and3A_590 : i32 to vector<16xi32>
    %and3A_592 = arith.andi %shift_right_logical3A_589, %and3A_591 : vector<16xi32>
    %swap3A_593 = arith.constant 352 : index
    %swap3A_594 = tpu.vector_load %arg13[%swap3A_593] {strides = array<i32>} : memref<512xi32, #tpu.memory_space<vmem>>, vector<16xi32>,
    %swap3A_595 = vector.shape_cast %swap3A_594 : vector<16xi32> to vector<16xi32>
    %swap3A_596 = vector.shape_cast %and3A_592 : vector<16xi32> to vector<16xi32>
    tpu.vector_store %arg13[%swap3A_593], %swap3A_596 {strides = array<i32>} : memref<512xi32, #tpu.memory_space<vmem>>, vector<16xi32>,
    %get3A_597 = arith.constant 368 : index
    %get3A_598 = tpu.vector_load %arg12[%get3A_597] {strides = array<i32>} : memref<512xi32, #tpu.memory_space<vmem>>, vector<16xi32>,
    %get3A_599 = vector.shape_cast %get3A_598 : vector<16xi32> to vector<16xi32>
    %shift_right_logical3A_600 = arith.constant 1 : i32
    %shift_right_logical3A_601 = vector.broadcast %shift_right_logical3A_600 : i32 to vector<16xi32>
    %shift_right_logical3A_602 = arith.shrui %get3A_599, %shift_right_logical3A_601 : vector<16xi32>
    %and3A_603 = arith.constant 262143 : i32
    %and3A_604 = vector.broadcast %and3A_603 : i32 to vector<16xi32>
    %and3A_605 = arith.andi %shift_right_logical3A_602, %and3A_604 : vector<16xi32>
    %swap3A_606 = arith.constant 368 : index
    %swap3A_607 = tpu.vector_load %arg12[%swap3A_606] {strides = array<i32>} : memref<512xi32, #tpu.memory_space<vmem>>, vector<16xi32>,
    %swap3A_608 = vector.shape_cast %swap3A_607 : vector<16xi32> to vector<16xi32>
    %swap3A_609 = vector.shape_cast %and3A_605 : vector<16xi32> to vector<16xi32>
    tpu.vector_store %arg12[%swap3A_606], %swap3A_609 {strides = array<i32>} : memref<512xi32, #tpu.memory_space<vmem>>, vector<16xi32>,
    %get3A_610 = arith.constant 368 : index
    %get3A_611 = tpu.vector_load %arg13[%get3A_610] {strides = array<i32>} : memref<512xi32, #tpu.memory_space<vmem>>, vector<16xi32>,
    %get3A_612 = vector.shape_cast %get3A_611 : vector<16xi32> to vector<16xi32>
    %shift_right_logical3A_613 = arith.constant 1 : i32
    %shift_right_logical3A_614 = vector.broadcast %shift_right_logical3A_613 : i32 to vector<16xi32>
    %shift_right_logical3A_615 = arith.shrui %get3A_612, %shift_right_logical3A_614 : vector<16xi32>
    %and3A_616 = arith.constant 262143 : i32
    %and3A_617 = vector.broadcast %and3A_616 : i32 to vector<16xi32>
    %and3A_618 = arith.andi %shift_right_logical3A_615, %and3A_617 : vector<16xi32>
    %swap3A_619 = arith.constant 368 : index
    %swap3A_620 = tpu.vector_load %arg13[%swap3A_619] {strides = array<i32>} : memref<512xi32, #tpu.memory_space<vmem>>, vector<16xi32>,
    %swap3A_621 = vector.shape_cast %swap3A_620 : vector<16xi32> to vector<16xi32>
    %swap3A_622 = vector.shape_cast %and3A_618 : vector<16xi32> to vector<16xi32>
    tpu.vector_store %arg13[%swap3A_619], %swap3A_622 {strides = array<i32>} : memref<512xi32, #tpu.memory_space<vmem>>, vector<16xi32>,
    %get3A_623 = arith.constant 384 : index
    %get3A_624 = tpu.vector_load %arg12[%get3A_623] {strides = array<i32>} : memref<512xi32, #tpu.memory_space<vmem>>, vector<16xi32>,
    %get3A_625 = vector.shape_cast %get3A_624 : vector<16xi32> to vector<16xi32>
    %shift_right_logical3A_626 = arith.constant 1 : i32
    %shift_right_logical3A_627 = vector.broadcast %shift_right_logical3A_626 : i32 to vector<16xi32>
    %shift_right_logical3A_628 = arith.shrui %get3A_625, %shift_right_logical3A_627 : vector<16xi32>
    %and3A_629 = arith.constant 262143 : i32
    %and3A_630 = vector.broadcast %and3A_629 : i32 to vector<16xi32>
    %and3A_631 = arith.andi %shift_right_logical3A_628, %and3A_630 : vector<16xi32>
    %swap3A_632 = arith.constant 384 : index
    %swap3A_633 = tpu.vector_load %arg12[%swap3A_632] {strides = array<i32>} : memref<512xi32, #tpu.memory_space<vmem>>, vector<16xi32>,
    %swap3A_634 = vector.shape_cast %swap3A_633 : vector<16xi32> to vector<16xi32>
    %swap3A_635 = vector.shape_cast %and3A_631 : vector<16xi32> to vector<16xi32>
    tpu.vector_store %arg12[%swap3A_632], %swap3A_635 {strides = array<i32>} : memref<512xi32, #tpu.memory_space<vmem>>, vector<16xi32>,
    %get3A_636 = arith.constant 384 : index
    %get3A_637 = tpu.vector_load %arg13[%get3A_636] {strides = array<i32>} : memref<512xi32, #tpu.memory_space<vmem>>, vector<16xi32>,
    %get3A_638 = vector.shape_cast %get3A_637 : vector<16xi32> to vector<16xi32>
    %shift_right_logical3A_639 = arith.constant 1 : i32
    %shift_right_logical3A_640 = vector.broadcast %shift_right_logical3A_639 : i32 to vector<16xi32>
    %shift_right_logical3A_641 = arith.shrui %get3A_638, %shift_right_logical3A_640 : vector<16xi32>
    %and3A_642 = arith.constant 262143 : i32
    %and3A_643 = vector.broadcast %and3A_642 : i32 to vector<16xi32>
    %and3A_644 = arith.andi %shift_right_logical3A_641, %and3A_643 : vector<16xi32>
    %swap3A_645 = arith.constant 384 : index
    %swap3A_646 = tpu.vector_load %arg13[%swap3A_645] {strides = array<i32>} : memref<512xi32, #tpu.memory_space<vmem>>, vector<16xi32>,
    %swap3A_647 = vector.shape_cast %swap3A_646 : vector<16xi32> to vector<16xi32>
    %swap3A_648 = vector.shape_cast %and3A_644 : vector<16xi32> to vector<16xi32>
    tpu.vector_store %arg13[%swap3A_645], %swap3A_648 {strides = array<i32>} : memref<512xi32, #tpu.memory_space<vmem>>, vector<16xi32>,
    %get3A_649 = arith.constant 400 : index
    %get3A_650 = tpu.vector_load %arg12[%get3A_649] {strides = array<i32>} : memref<512xi32, #tpu.memory_space<vmem>>, vector<16xi32>,
    %get3A_651 = vector.shape_cast %get3A_650 : vector<16xi32> to vector<16xi32>
    %shift_right_logical3A_652 = arith.constant 1 : i32
    %shift_right_logical3A_653 = vector.broadcast %shift_right_logical3A_652 : i32 to vector<16xi32>
    %shift_right_logical3A_654 = arith.shrui %get3A_651, %shift_right_logical3A_653 : vector<16xi32>
    %and3A_655 = arith.constant 262143 : i32
    %and3A_656 = vector.broadcast %and3A_655 : i32 to vector<16xi32>
    %and3A_657 = arith.andi %shift_right_logical3A_654, %and3A_656 : vector<16xi32>
    %swap3A_658 = arith.constant 400 : index
    %swap3A_659 = tpu.vector_load %arg12[%swap3A_658] {strides = array<i32>} : memref<512xi32, #tpu.memory_space<vmem>>, vector<16xi32>,
    %swap3A_660 = vector.shape_cast %swap3A_659 : vector<16xi32> to vector<16xi32>
    %swap3A_661 = vector.shape_cast %and3A_657 : vector<16xi32> to vector<16xi32>
    tpu.vector_store %arg12[%swap3A_658], %swap3A_661 {strides = array<i32>} : memref<512xi32, #tpu.memory_space<vmem>>, vector<16xi32>,
    %get3A_662 = arith.constant 400 : index
    %get3A_663 = tpu.vector_load %arg13[%get3A_662] {strides = array<i32>} : memref<512xi32, #tpu.memory_space<vmem>>, vector<16xi32>,
    %get3A_664 = vector.shape_cast %get3A_663 : vector<16xi32> to vector<16xi32>
    %shift_right_logical3A_665 = arith.constant 1 : i32
    %shift_right_logical3A_666 = vector.broadcast %shift_right_logical3A_665 : i32 to vector<16xi32>
    %shift_right_logical3A_667 = arith.shrui %get3A_664, %shift_right_logical3A_666 : vector<16xi32>
    %and3A_668 = arith.constant 262143 : i32
    %and3A_669 = vector.broadcast %and3A_668 : i32 to vector<16xi32>
    %and3A_670 = arith.andi %shift_right_logical3A_667, %and3A_669 : vector<16xi32>
    %swap3A_671 = arith.constant 400 : index
    %swap3A_672 = tpu.vector_load %arg13[%swap3A_671] {strides = array<i32>} : memref<512xi32, #tpu.memory_space<vmem>>, vector<16xi32>,
    %swap3A_673 = vector.shape_cast %swap3A_672 : vector<16xi32> to vector<16xi32>
    %swap3A_674 = vector.shape_cast %and3A_670 : vector<16xi32> to vector<16xi32>
    tpu.vector_store %arg13[%swap3A_671], %swap3A_674 {strides = array<i32>} : memref<512xi32, #tpu.memory_space<vmem>>, vector<16xi32>,
    %get3A_675 = arith.constant 416 : index
    %get3A_676 = tpu.vector_load %arg12[%get3A_675] {strides = array<i32>} : memref<512xi32, #tpu.memory_space<vmem>>, vector<16xi32>,
    %get3A_677 = vector.shape_cast %get3A_676 : vector<16xi32> to vector<16xi32>
    %shift_right_logical3A_678 = arith.constant 1 : i32
    %shift_right_logical3A_679 = vector.broadcast %shift_right_logical3A_678 : i32 to vector<16xi32>
    %shift_right_logical3A_680 = arith.shrui %get3A_677, %shift_right_logical3A_679 : vector<16xi32>
    %and3A_681 = arith.constant 262143 : i32
    %and3A_682 = vector.broadcast %and3A_681 : i32 to vector<16xi32>
    %and3A_683 = arith.andi %shift_right_logical3A_680, %and3A_682 : vector<16xi32>
    %swap3A_684 = arith.constant 416 : index
    %swap3A_685 = tpu.vector_load %arg12[%swap3A_684] {strides = array<i32>} : memref<512xi32, #tpu.memory_space<vmem>>, vector<16xi32>,
    %swap3A_686 = vector.shape_cast %swap3A_685 : vector<16xi32> to vector<16xi32>
    %swap3A_687 = vector.shape_cast %and3A_683 : vector<16xi32> to vector<16xi32>
    tpu.vector_store %arg12[%swap3A_684], %swap3A_687 {strides = array<i32>} : memref<512xi32, #tpu.memory_space<vmem>>, vector<16xi32>,
    %get3A_688 = arith.constant 416 : index
    %get3A_689 = tpu.vector_load %arg13[%get3A_688] {strides = array<i32>} : memref<512xi32, #tpu.memory_space<vmem>>, vector<16xi32>,
    %get3A_690 = vector.shape_cast %get3A_689 : vector<16xi32> to vector<16xi32>
    %shift_right_logical3A_691 = arith.constant 1 : i32
    %shift_right_logical3A_692 = vector.broadcast %shift_right_logical3A_691 : i32 to vector<16xi32>
    %shift_right_logical3A_693 = arith.shrui %get3A_690, %shift_right_logical3A_692 : vector<16xi32>
    %and3A_694 = arith.constant 262143 : i32
    %and3A_695 = vector.broadcast %and3A_694 : i32 to vector<16xi32>
    %and3A_696 = arith.andi %shift_right_logical3A_693, %and3A_695 : vector<16xi32>
    %swap3A_697 = arith.constant 416 : index
    %swap3A_698 = tpu.vector_load %arg13[%swap3A_697] {strides = array<i32>} : memref<512xi32, #tpu.memory_space<vmem>>, vector<16xi32>,
    %swap3A_699 = vector.shape_cast %swap3A_698 : vector<16xi32> to vector<16xi32>
    %swap3A_700 = vector.shape_cast %and3A_696 : vector<16xi32> to vector<16xi32>
    tpu.vector_store %arg13[%swap3A_697], %swap3A_700 {strides = array<i32>} : memref<512xi32, #tpu.memory_space<vmem>>, vector<16xi32>,
    %get3A_701 = arith.constant 432 : index
    %get3A_702 = tpu.vector_load %arg12[%get3A_701] {strides = array<i32>} : memref<512xi32, #tpu.memory_space<vmem>>, vector<16xi32>,
    %get3A_703 = vector.shape_cast %get3A_702 : vector<16xi32> to vector<16xi32>
    %shift_right_logical3A_704 = arith.constant 1 : i32
    %shift_right_logical3A_705 = vector.broadcast %shift_right_logical3A_704 : i32 to vector<16xi32>
    %shift_right_logical3A_706 = arith.shrui %get3A_703, %shift_right_logical3A_705 : vector<16xi32>
    %and3A_707 = arith.constant 262143 : i32
    %and3A_708 = vector.broadcast %and3A_707 : i32 to vector<16xi32>
    %and3A_709 = arith.andi %shift_right_logical3A_706, %and3A_708 : vector<16xi32>
    %swap3A_710 = arith.constant 432 : index
    %swap3A_711 = tpu.vector_load %arg12[%swap3A_710] {strides = array<i32>} : memref<512xi32, #tpu.memory_space<vmem>>, vector<16xi32>,
    %swap3A_712 = vector.shape_cast %swap3A_711 : vector<16xi32> to vector<16xi32>
    %swap3A_713 = vector.shape_cast %and3A_709 : vector<16xi32> to vector<16xi32>
    tpu.vector_store %arg12[%swap3A_710], %swap3A_713 {strides = array<i32>} : memref<512xi32, #tpu.memory_space<vmem>>, vector<16xi32>,
    %get3A_714 = arith.constant 432 : index
    %get3A_715 = tpu.vector_load %arg13[%get3A_714] {strides = array<i32>} : memref<512xi32, #tpu.memory_space<vmem>>, vector<16xi32>,
    %get3A_716 = vector.shape_cast %get3A_715 : vector<16xi32> to vector<16xi32>
    %shift_right_logical3A_717 = arith.constant 1 : i32
    %shift_right_logical3A_718 = vector.broadcast %shift_right_logical3A_717 : i32 to vector<16xi32>
    %shift_right_logical3A_719 = arith.shrui %get3A_716, %shift_right_logical3A_718 : vector<16xi32>
    %and3A_720 = arith.constant 262143 : i32
    %and3A_721 = vector.broadcast %and3A_720 : i32 to vector<16xi32>
    %and3A_722 = arith.andi %shift_right_logical3A_719, %and3A_721 : vector<16xi32>
    %swap3A_723 = arith.constant 432 : index
    %swap3A_724 = tpu.vector_load %arg13[%swap3A_723] {strides = array<i32>} : memref<512xi32, #tpu.memory_space<vmem>>, vector<16xi32>,
    %swap3A_725 = vector.shape_cast %swap3A_724 : vector<16xi32> to vector<16xi32>
    %swap3A_726 = vector.shape_cast %and3A_722 : vector<16xi32> to vector<16xi32>
    tpu.vector_store %arg13[%swap3A_723], %swap3A_726 {strides = array<i32>} : memref<512xi32, #tpu.memory_space<vmem>>, vector<16xi32>,
    %get3A_727 = arith.constant 448 : index
    %get3A_728 = tpu.vector_load %arg12[%get3A_727] {strides = array<i32>} : memref<512xi32, #tpu.memory_space<vmem>>, vector<16xi32>,
    %get3A_729 = vector.shape_cast %get3A_728 : vector<16xi32> to vector<16xi32>
    %shift_right_logical3A_730 = arith.constant 1 : i32
    %shift_right_logical3A_731 = vector.broadcast %shift_right_logical3A_730 : i32 to vector<16xi32>
    %shift_right_logical3A_732 = arith.shrui %get3A_729, %shift_right_logical3A_731 : vector<16xi32>
    %and3A_733 = arith.constant 262143 : i32
    %and3A_734 = vector.broadcast %and3A_733 : i32 to vector<16xi32>
    %and3A_735 = arith.andi %shift_right_logical3A_732, %and3A_734 : vector<16xi32>
    %swap3A_736 = arith.constant 448 : index
    %swap3A_737 = tpu.vector_load %arg12[%swap3A_736] {strides = array<i32>} : memref<512xi32, #tpu.memory_space<vmem>>, vector<16xi32>,
    %swap3A_738 = vector.shape_cast %swap3A_737 : vector<16xi32> to vector<16xi32>
    %swap3A_739 = vector.shape_cast %and3A_735 : vector<16xi32> to vector<16xi32>
    tpu.vector_store %arg12[%swap3A_736], %swap3A_739 {strides = array<i32>} : memref<512xi32, #tpu.memory_space<vmem>>, vector<16xi32>,
    %get3A_740 = arith.constant 448 : index
    %get3A_741 = tpu.vector_load %arg13[%get3A_740] {strides = array<i32>} : memref<512xi32, #tpu.memory_space<vmem>>, vector<16xi32>,
    %get3A_742 = vector.shape_cast %get3A_741 : vector<16xi32> to vector<16xi32>
    %shift_right_logical3A_743 = arith.constant 1 : i32
    %shift_right_logical3A_744 = vector.broadcast %shift_right_logical3A_743 : i32 to vector<16xi32>
    %shift_right_logical3A_745 = arith.shrui %get3A_742, %shift_right_logical3A_744 : vector<16xi32>
    %and3A_746 = arith.constant 262143 : i32
    %and3A_747 = vector.broadcast %and3A_746 : i32 to vector<16xi32>
    %and3A_748 = arith.andi %shift_right_logical3A_745, %and3A_747 : vector<16xi32>
    %swap3A_749 = arith.constant 448 : index
    %swap3A_750 = tpu.vector_load %arg13[%swap3A_749] {strides = array<i32>} : memref<512xi32, #tpu.memory_space<vmem>>, vector<16xi32>,
    %swap3A_751 = vector.shape_cast %swap3A_750 : vector<16xi32> to vector<16xi32>
    %swap3A_752 = vector.shape_cast %and3A_748 : vector<16xi32> to vector<16xi32>
    tpu.vector_store %arg13[%swap3A_749], %swap3A_752 {strides = array<i32>} : memref<512xi32, #tpu.memory_space<vmem>>, vector<16xi32>,
    %get3A_753 = arith.constant 464 : index
    %get3A_754 = tpu.vector_load %arg12[%get3A_753] {strides = array<i32>} : memref<512xi32, #tpu.memory_space<vmem>>, vector<16xi32>,
    %get3A_755 = vector.shape_cast %get3A_754 : vector<16xi32> to vector<16xi32>
    %shift_right_logical3A_756 = arith.constant 1 : i32
    %shift_right_logical3A_757 = vector.broadcast %shift_right_logical3A_756 : i32 to vector<16xi32>
    %shift_right_logical3A_758 = arith.shrui %get3A_755, %shift_right_logical3A_757 : vector<16xi32>
    %and3A_759 = arith.constant 262143 : i32
    %and3A_760 = vector.broadcast %and3A_759 : i32 to vector<16xi32>
    %and3A_761 = arith.andi %shift_right_logical3A_758, %and3A_760 : vector<16xi32>
    %swap3A_762 = arith.constant 464 : index
    %swap3A_763 = tpu.vector_load %arg12[%swap3A_762] {strides = array<i32>} : memref<512xi32, #tpu.memory_space<vmem>>, vector<16xi32>,
    %swap3A_764 = vector.shape_cast %swap3A_763 : vector<16xi32> to vector<16xi32>
    %swap3A_765 = vector.shape_cast %and3A_761 : vector<16xi32> to vector<16xi32>
    tpu.vector_store %arg12[%swap3A_762], %swap3A_765 {strides = array<i32>} : memref<512xi32, #tpu.memory_space<vmem>>, vector<16xi32>,
    %get3A_766 = arith.constant 464 : index
    %get3A_767 = tpu.vector_load %arg13[%get3A_766] {strides = array<i32>} : memref<512xi32, #tpu.memory_space<vmem>>, vector<16xi32>,
    %get3A_768 = vector.shape_cast %get3A_767 : vector<16xi32> to vector<16xi32>
    %shift_right_logical3A_769 = arith.constant 1 : i32
    %shift_right_logical3A_770 = vector.broadcast %shift_right_logical3A_769 : i32 to vector<16xi32>
    %shift_right_logical3A_771 = arith.shrui %get3A_768, %shift_right_logical3A_770 : vector<16xi32>
    %and3A_772 = arith.constant 262143 : i32
    %and3A_773 = vector.broadcast %and3A_772 : i32 to vector<16xi32>
    %and3A_774 = arith.andi %shift_right_logical3A_771, %and3A_773 : vector<16xi32>
    %swap3A_775 = arith.constant 464 : index
    %swap3A_776 = tpu.vector_load %arg13[%swap3A_775] {strides = array<i32>} : memref<512xi32, #tpu.memory_space<vmem>>, vector<16xi32>,
    %swap3A_777 = vector.shape_cast %swap3A_776 : vector<16xi32> to vector<16xi32>
    %swap3A_778 = vector.shape_cast %and3A_774 : vector<16xi32> to vector<16xi32>
    tpu.vector_store %arg13[%swap3A_775], %swap3A_778 {strides = array<i32>} : memref<512xi32, #tpu.memory_space<vmem>>, vector<16xi32>,
    %get3A_779 = arith.constant 480 : index
    %get3A_780 = tpu.vector_load %arg12[%get3A_779] {strides = array<i32>} : memref<512xi32, #tpu.memory_space<vmem>>, vector<16xi32>,
    %get3A_781 = vector.shape_cast %get3A_780 : vector<16xi32> to vector<16xi32>
    %shift_right_logical3A_782 = arith.constant 1 : i32
    %shift_right_logical3A_783 = vector.broadcast %shift_right_logical3A_782 : i32 to vector<16xi32>
    %shift_right_logical3A_784 = arith.shrui %get3A_781, %shift_right_logical3A_783 : vector<16xi32>
    %and3A_785 = arith.constant 262143 : i32
    %and3A_786 = vector.broadcast %and3A_785 : i32 to vector<16xi32>
    %and3A_787 = arith.andi %shift_right_logical3A_784, %and3A_786 : vector<16xi32>
    %swap3A_788 = arith.constant 480 : index
    %swap3A_789 = tpu.vector_load %arg12[%swap3A_788] {strides = array<i32>} : memref<512xi32, #tpu.memory_space<vmem>>, vector<16xi32>,
    %swap3A_790 = vector.shape_cast %swap3A_789 : vector<16xi32> to vector<16xi32>
    %swap3A_791 = vector.shape_cast %and3A_787 : vector<16xi32> to vector<16xi32>
    tpu.vector_store %arg12[%swap3A_788], %swap3A_791 {strides = array<i32>} : memref<512xi32, #tpu.memory_space<vmem>>, vector<16xi32>,
    %get3A_792 = arith.constant 480 : index
    %get3A_793 = tpu.vector_load %arg13[%get3A_792] {strides = array<i32>} : memref<512xi32, #tpu.memory_space<vmem>>, vector<16xi32>,
    %get3A_794 = vector.shape_cast %get3A_793 : vector<16xi32> to vector<16xi32>
    %shift_right_logical3A_795 = arith.constant 1 : i32
    %shift_right_logical3A_796 = vector.broadcast %shift_right_logical3A_795 : i32 to vector<16xi32>
    %shift_right_logical3A_797 = arith.shrui %get3A_794, %shift_right_logical3A_796 : vector<16xi32>
    %and3A_798 = arith.constant 262143 : i32
    %and3A_799 = vector.broadcast %and3A_798 : i32 to vector<16xi32>
    %and3A_800 = arith.andi %shift_right_logical3A_797, %and3A_799 : vector<16xi32>
    %swap3A_801 = arith.constant 480 : index
    %swap3A_802 = tpu.vector_load %arg13[%swap3A_801] {strides = array<i32>} : memref<512xi32, #tpu.memory_space<vmem>>, vector<16xi32>,
    %swap3A_803 = vector.shape_cast %swap3A_802 : vector<16xi32> to vector<16xi32>
    %swap3A_804 = vector.shape_cast %and3A_800 : vector<16xi32> to vector<16xi32>
    tpu.vector_store %arg13[%swap3A_801], %swap3A_804 {strides = array<i32>} : memref<512xi32, #tpu.memory_space<vmem>>, vector<16xi32>,
    %get3A_805 = arith.constant 496 : index
    %get3A_806 = tpu.vector_load %arg12[%get3A_805] {strides = array<i32>} : memref<512xi32, #tpu.memory_space<vmem>>, vector<16xi32>,
    %get3A_807 = vector.shape_cast %get3A_806 : vector<16xi32> to vector<16xi32>
    %shift_right_logical3A_808 = arith.constant 1 : i32
    %shift_right_logical3A_809 = vector.broadcast %shift_right_logical3A_808 : i32 to vector<16xi32>
    %shift_right_logical3A_810 = arith.shrui %get3A_807, %shift_right_logical3A_809 : vector<16xi32>
    %and3A_811 = arith.constant 262143 : i32
    %and3A_812 = vector.broadcast %and3A_811 : i32 to vector<16xi32>
    %and3A_813 = arith.andi %shift_right_logical3A_810, %and3A_812 : vector<16xi32>
    %swap3A_814 = arith.constant 496 : index
    %swap3A_815 = tpu.vector_load %arg12[%swap3A_814] {strides = array<i32>} : memref<512xi32, #tpu.memory_space<vmem>>, vector<16xi32>,
    %swap3A_816 = vector.shape_cast %swap3A_815 : vector<16xi32> to vector<16xi32>
    %swap3A_817 = vector.shape_cast %and3A_813 : vector<16xi32> to vector<16xi32>
    tpu.vector_store %arg12[%swap3A_814], %swap3A_817 {strides = array<i32>} : memref<512xi32, #tpu.memory_space<vmem>>, vector<16xi32>,
    %get3A_818 = arith.constant 496 : index
    %get3A_819 = tpu.vector_load %arg13[%get3A_818] {strides = array<i32>} : memref<512xi32, #tpu.memory_space<vmem>>, vector<16xi32>,
    %get3A_820 = vector.shape_cast %get3A_819 : vector<16xi32> to vector<16xi32>
    %shift_right_logical3A_821 = arith.constant 1 : i32
    %shift_right_logical3A_822 = vector.broadcast %shift_right_logical3A_821 : i32 to vector<16xi32>
    %shift_right_logical3A_823 = arith.shrui %get3A_820, %shift_right_logical3A_822 : vector<16xi32>
    %and3A_824 = arith.constant 262143 : i32
    %and3A_825 = vector.broadcast %and3A_824 : i32 to vector<16xi32>
    %and3A_826 = arith.andi %shift_right_logical3A_823, %and3A_825 : vector<16xi32>
    %swap3A_827 = arith.constant 496 : index
    %swap3A_828 = tpu.vector_load %arg13[%swap3A_827] {strides = array<i32>} : memref<512xi32, #tpu.memory_space<vmem>>, vector<16xi32>,
    %swap3A_829 = vector.shape_cast %swap3A_828 : vector<16xi32> to vector<16xi32>
    %swap3A_830 = vector.shape_cast %and3A_826 : vector<16xi32> to vector<16xi32>
    tpu.vector_store %arg13[%swap3A_827], %swap3A_830 {strides = array<i32>} : memref<512xi32, #tpu.memory_space<vmem>>, vector<16xi32>,
    %dma_start3A = arith.constant 0 : i32
    %dma_start3A_831 = tpu.memref_slice %arg12[%dma_start3A] : memref<512xi32, #tpu.memory_space<vmem>> -> memref<256xi32, #tpu.memory_space<vmem>>
    %dma_start3A_832 = arith.constant 0 : i32
    %dma_start3A_833 = arith.constant 0 : i32
    %dma_start3A_834 = tpu.memref_slice %arg4[%dma_start3A_832, %dma_start3A_833] : memref<262144x128xi32, #tpu.memory_space<hbm>> -> memref<262144x128xi32, #tpu.memory_space<hbm>>
    tpu.enqueue_indirect_dma source(%dma_start3A_834 : memref<262144x128xi32, #tpu.memory_space<hbm>>) target(%arg14 : memref<256x128xi32, #tpu.memory_space<vmem>>) offsets(%dma_start3A_831 : memref<256xi32, #tpu.memory_space<vmem>>) semaphore(%arg16 : memref<!tpu.dma_semaphore, #tpu.memory_space<semaphore_mem>>)
    %dma_start3A_835 = arith.constant 256 : i32
    %dma_start3A_836 = tpu.memref_slice %arg12[%dma_start3A_835] : memref<512xi32, #tpu.memory_space<vmem>> -> memref<256xi32, #tpu.memory_space<vmem>>
    %dma_start3A_837 = arith.constant 0 : i32
    %dma_start3A_838 = arith.constant 0 : i32
    %dma_start3A_839 = tpu.memref_slice %arg4[%dma_start3A_837, %dma_start3A_838] : memref<262144x128xi32, #tpu.memory_space<hbm>> -> memref<262144x128xi32, #tpu.memory_space<hbm>>
    tpu.enqueue_indirect_dma source(%dma_start3A_839 : memref<262144x128xi32, #tpu.memory_space<hbm>>) target(%arg15 : memref<256x128xi32, #tpu.memory_space<vmem>>) offsets(%dma_start3A_836 : memref<256xi32, #tpu.memory_space<vmem>>) semaphore(%arg17 : memref<!tpu.dma_semaphore, #tpu.memory_space<semaphore_mem>>)
    %dma_wait3A = arith.constant 0 : i32
    %dma_wait3A_840 = tpu.memref_slice %arg12[%dma_wait3A] : memref<512xi32, #tpu.memory_space<vmem>> -> memref<256xi32, #tpu.memory_space<vmem>>
    %dma_wait3A_841 = arith.constant 0 : i32
    %dma_wait3A_842 = arith.constant 0 : i32
    %dma_wait3A_843 = tpu.memref_slice %arg4[%dma_wait3A_841, %dma_wait3A_842] : memref<262144x128xi32, #tpu.memory_space<hbm>> -> memref<262144x128xi32, #tpu.memory_space<hbm>>
    tpu.wait_indirect_dma semaphore(%arg16 : memref<!tpu.dma_semaphore, #tpu.memory_space<semaphore_mem>>) src(%dma_wait3A_843 : memref<262144x128xi32, #tpu.memory_space<hbm>>) dst(%arg14 : memref<256x128xi32, #tpu.memory_space<vmem>>)
    %dma_start3A_844 = arith.constant 0 : i32
    %dma_start3A_845 = tpu.memref_slice %arg8[%mul3A_2, %dma_start3A_844] : memref<16384x128xi32, #tpu.memory_space<hbm>> -> memref<256x128xi32, #tpu.memory_space<hbm>>
    %dma_start3A_846 = arith.constant 0 : i32
    %dma_start3A_847 = tpu.memref_slice %arg8[%mul3A_2, %dma_start3A_846] : memref<16384x128xi32, #tpu.memory_space<hbm>> -> memref<256x128xi32, #tpu.memory_space<hbm>>
    tpu.enqueue_dma source(%arg14 : memref<256x128xi32, #tpu.memory_space<vmem>>) target(%dma_start3A_847 : memref<256x128xi32, #tpu.memory_space<hbm>>) target_semaphore(%arg18 : memref<!tpu.dma_semaphore, #tpu.memory_space<semaphore_mem>>)
    %dma_wait3A_848 = arith.constant 256 : i32
    %dma_wait3A_849 = tpu.memref_slice %arg12[%dma_wait3A_848] : memref<512xi32, #tpu.memory_space<vmem>> -> memref<256xi32, #tpu.memory_space<vmem>>
    %dma_wait3A_850 = arith.constant 0 : i32
    %dma_wait3A_851 = arith.constant 0 : i32
    %dma_wait3A_852 = tpu.memref_slice %arg4[%dma_wait3A_850, %dma_wait3A_851] : memref<262144x128xi32, #tpu.memory_space<hbm>> -> memref<262144x128xi32, #tpu.memory_space<hbm>>
    tpu.wait_indirect_dma semaphore(%arg17 : memref<!tpu.dma_semaphore, #tpu.memory_space<semaphore_mem>>) src(%dma_wait3A_852 : memref<262144x128xi32, #tpu.memory_space<hbm>>) dst(%arg15 : memref<256x128xi32, #tpu.memory_space<vmem>>)
    %add3A_853 = arith.constant 256 : i32
    %add3A_854 = arith.addi %mul3A_2, %add3A_853 : i32
    %dma_start3A_855 = arith.constant 0 : i32
    %dma_start3A_856 = tpu.memref_slice %arg8[%add3A_854, %dma_start3A_855] : memref<16384x128xi32, #tpu.memory_space<hbm>> -> memref<256x128xi32, #tpu.memory_space<hbm>>
    %dma_start3A_857 = arith.constant 0 : i32
    %dma_start3A_858 = tpu.memref_slice %arg8[%add3A_854, %dma_start3A_857] : memref<16384x128xi32, #tpu.memory_space<hbm>> -> memref<256x128xi32, #tpu.memory_space<hbm>>
    tpu.enqueue_dma source(%arg15 : memref<256x128xi32, #tpu.memory_space<vmem>>) target(%dma_start3A_858 : memref<256x128xi32, #tpu.memory_space<hbm>>) target_semaphore(%arg19 : memref<!tpu.dma_semaphore, #tpu.memory_space<semaphore_mem>>)
    %dma_wait3A_859 = arith.constant 0 : i32
    %dma_wait3A_860 = tpu.memref_slice %arg8[%mul3A_2, %dma_wait3A_859] : memref<16384x128xi32, #tpu.memory_space<hbm>> -> memref<256x128xi32, #tpu.memory_space<hbm>>
    %dma_wait3A_861 = arith.constant 0 : i32
    %dma_wait3A_862 = tpu.memref_slice %arg8[%mul3A_2, %dma_wait3A_861] : memref<16384x128xi32, #tpu.memory_space<hbm>> -> memref<256x128xi32, #tpu.memory_space<hbm>>
    tpu.wait_dma2 semaphore(%arg18 : memref<!tpu.dma_semaphore, #tpu.memory_space<semaphore_mem>>) src(%arg14 : memref<256x128xi32, #tpu.memory_space<vmem>>) dst(%dma_wait3A_862 : memref<256x128xi32, #tpu.memory_space<hbm>>)
    %dma_wait3A_863 = arith.constant 0 : i32
    %dma_wait3A_864 = tpu.memref_slice %arg8[%add3A_854, %dma_wait3A_863] : memref<16384x128xi32, #tpu.memory_space<hbm>> -> memref<256x128xi32, #tpu.memory_space<hbm>>
    %dma_wait3A_865 = arith.constant 0 : i32
    %dma_wait3A_866 = tpu.memref_slice %arg8[%add3A_854, %dma_wait3A_865] : memref<16384x128xi32, #tpu.memory_space<hbm>> -> memref<256x128xi32, #tpu.memory_space<hbm>>
    tpu.wait_dma2 semaphore(%arg19 : memref<!tpu.dma_semaphore, #tpu.memory_space<semaphore_mem>>) src(%arg15 : memref<256x128xi32, #tpu.memory_space<vmem>>) dst(%dma_wait3A_866 : memref<256x128xi32, #tpu.memory_space<hbm>>)
    %dma_start3A_867 = arith.constant 0 : i32
    %dma_start3A_868 = tpu.memref_slice %arg13[%dma_start3A_867] : memref<512xi32, #tpu.memory_space<vmem>> -> memref<256xi32, #tpu.memory_space<vmem>>
    %dma_start3A_869 = arith.constant 0 : i32
    %dma_start3A_870 = arith.constant 0 : i32
    %dma_start3A_871 = tpu.memref_slice %arg5[%dma_start3A_869, %dma_start3A_870] : memref<262144x128xi32, #tpu.memory_space<hbm>> -> memref<262144x128xi32, #tpu.memory_space<hbm>>
    tpu.enqueue_indirect_dma source(%dma_start3A_871 : memref<262144x128xi32, #tpu.memory_space<hbm>>) target(%arg14 : memref<256x128xi32, #tpu.memory_space<vmem>>) offsets(%dma_start3A_868 : memref<256xi32, #tpu.memory_space<vmem>>) semaphore(%arg16 : memref<!tpu.dma_semaphore, #tpu.memory_space<semaphore_mem>>)
    %dma_start3A_872 = arith.constant 256 : i32
    %dma_start3A_873 = tpu.memref_slice %arg13[%dma_start3A_872] : memref<512xi32, #tpu.memory_space<vmem>> -> memref<256xi32, #tpu.memory_space<vmem>>
    %dma_start3A_874 = arith.constant 0 : i32
    %dma_start3A_875 = arith.constant 0 : i32
    %dma_start3A_876 = tpu.memref_slice %arg5[%dma_start3A_874, %dma_start3A_875] : memref<262144x128xi32, #tpu.memory_space<hbm>> -> memref<262144x128xi32, #tpu.memory_space<hbm>>
    tpu.enqueue_indirect_dma source(%dma_start3A_876 : memref<262144x128xi32, #tpu.memory_space<hbm>>) target(%arg15 : memref<256x128xi32, #tpu.memory_space<vmem>>) offsets(%dma_start3A_873 : memref<256xi32, #tpu.memory_space<vmem>>) semaphore(%arg17 : memref<!tpu.dma_semaphore, #tpu.memory_space<semaphore_mem>>)
    %dma_wait3A_877 = arith.constant 0 : i32
    %dma_wait3A_878 = tpu.memref_slice %arg13[%dma_wait3A_877] : memref<512xi32, #tpu.memory_space<vmem>> -> memref<256xi32, #tpu.memory_space<vmem>>
    %dma_wait3A_879 = arith.constant 0 : i32
    %dma_wait3A_880 = arith.constant 0 : i32
    %dma_wait3A_881 = tpu.memref_slice %arg5[%dma_wait3A_879, %dma_wait3A_880] : memref<262144x128xi32, #tpu.memory_space<hbm>> -> memref<262144x128xi32, #tpu.memory_space<hbm>>
    tpu.wait_indirect_dma semaphore(%arg16 : memref<!tpu.dma_semaphore, #tpu.memory_space<semaphore_mem>>) src(%dma_wait3A_881 : memref<262144x128xi32, #tpu.memory_space<hbm>>) dst(%arg14 : memref<256x128xi32, #tpu.memory_space<vmem>>)
    %dma_start3A_882 = arith.constant 0 : i32
    %dma_start3A_883 = tpu.memref_slice %arg9[%mul3A_2, %dma_start3A_882] : memref<16384x128xi32, #tpu.memory_space<hbm>> -> memref<256x128xi32, #tpu.memory_space<hbm>>
    %dma_start3A_884 = arith.constant 0 : i32
    %dma_start3A_885 = tpu.memref_slice %arg9[%mul3A_2, %dma_start3A_884] : memref<16384x128xi32, #tpu.memory_space<hbm>> -> memref<256x128xi32, #tpu.memory_space<hbm>>
    tpu.enqueue_dma source(%arg14 : memref<256x128xi32, #tpu.memory_space<vmem>>) target(%dma_start3A_885 : memref<256x128xi32, #tpu.memory_space<hbm>>) target_semaphore(%arg18 : memref<!tpu.dma_semaphore, #tpu.memory_space<semaphore_mem>>)
    %dma_wait3A_886 = arith.constant 256 : i32
    %dma_wait3A_887 = tpu.memref_slice %arg13[%dma_wait3A_886] : memref<512xi32, #tpu.memory_space<vmem>> -> memref<256xi32, #tpu.memory_space<vmem>>
    %dma_wait3A_888 = arith.constant 0 : i32
    %dma_wait3A_889 = arith.constant 0 : i32
    %dma_wait3A_890 = tpu.memref_slice %arg5[%dma_wait3A_888, %dma_wait3A_889] : memref<262144x128xi32, #tpu.memory_space<hbm>> -> memref<262144x128xi32, #tpu.memory_space<hbm>>
    tpu.wait_indirect_dma semaphore(%arg17 : memref<!tpu.dma_semaphore, #tpu.memory_space<semaphore_mem>>) src(%dma_wait3A_890 : memref<262144x128xi32, #tpu.memory_space<hbm>>) dst(%arg15 : memref<256x128xi32, #tpu.memory_space<vmem>>)
    %add3A_891 = arith.constant 256 : i32
    %add3A_892 = arith.addi %mul3A_2, %add3A_891 : i32
    %dma_start3A_893 = arith.constant 0 : i32
    %dma_start3A_894 = tpu.memref_slice %arg9[%add3A_892, %dma_start3A_893] : memref<16384x128xi32, #tpu.memory_space<hbm>> -> memref<256x128xi32, #tpu.memory_space<hbm>>
    %dma_start3A_895 = arith.constant 0 : i32
    %dma_start3A_896 = tpu.memref_slice %arg9[%add3A_892, %dma_start3A_895] : memref<16384x128xi32, #tpu.memory_space<hbm>> -> memref<256x128xi32, #tpu.memory_space<hbm>>
    tpu.enqueue_dma source(%arg15 : memref<256x128xi32, #tpu.memory_space<vmem>>) target(%dma_start3A_896 : memref<256x128xi32, #tpu.memory_space<hbm>>) target_semaphore(%arg19 : memref<!tpu.dma_semaphore, #tpu.memory_space<semaphore_mem>>)
    %dma_wait3A_897 = arith.constant 0 : i32
    %dma_wait3A_898 = tpu.memref_slice %arg9[%mul3A_2, %dma_wait3A_897] : memref<16384x128xi32, #tpu.memory_space<hbm>> -> memref<256x128xi32, #tpu.memory_space<hbm>>
    %dma_wait3A_899 = arith.constant 0 : i32
    %dma_wait3A_900 = tpu.memref_slice %arg9[%mul3A_2, %dma_wait3A_899] : memref<16384x128xi32, #tpu.memory_space<hbm>> -> memref<256x128xi32, #tpu.memory_space<hbm>>
    tpu.wait_dma2 semaphore(%arg18 : memref<!tpu.dma_semaphore, #tpu.memory_space<semaphore_mem>>) src(%arg14 : memref<256x128xi32, #tpu.memory_space<vmem>>) dst(%dma_wait3A_900 : memref<256x128xi32, #tpu.memory_space<hbm>>)
    %dma_wait3A_901 = arith.constant 0 : i32
    %dma_wait3A_902 = tpu.memref_slice %arg9[%add3A_892, %dma_wait3A_901] : memref<16384x128xi32, #tpu.memory_space<hbm>> -> memref<256x128xi32, #tpu.memory_space<hbm>>
    %dma_wait3A_903 = arith.constant 0 : i32
    %dma_wait3A_904 = tpu.memref_slice %arg9[%add3A_892, %dma_wait3A_903] : memref<16384x128xi32, #tpu.memory_space<hbm>> -> memref<256x128xi32, #tpu.memory_space<hbm>>
    tpu.wait_dma2 semaphore(%arg19 : memref<!tpu.dma_semaphore, #tpu.memory_space<semaphore_mem>>) src(%arg15 : memref<256x128xi32, #tpu.memory_space<vmem>>) dst(%dma_wait3A_904 : memref<256x128xi32, #tpu.memory_space<hbm>>)
    %dma_start3A_905 = arith.constant 0 : i32
    %dma_start3A_906 = tpu.memref_slice %arg12[%dma_start3A_905] : memref<512xi32, #tpu.memory_space<vmem>> -> memref<256xi32, #tpu.memory_space<vmem>>
    %dma_start3A_907 = arith.constant 0 : i32
    %dma_start3A_908 = arith.constant 0 : i32
    %dma_start3A_909 = tpu.memref_slice %arg6[%dma_start3A_907, %dma_start3A_908] : memref<262144x128xi32, #tpu.memory_space<hbm>> -> memref<262144x128xi32, #tpu.memory_space<hbm>>
    tpu.enqueue_indirect_dma source(%dma_start3A_909 : memref<262144x128xi32, #tpu.memory_space<hbm>>) target(%arg14 : memref<256x128xi32, #tpu.memory_space<vmem>>) offsets(%dma_start3A_906 : memref<256xi32, #tpu.memory_space<vmem>>) semaphore(%arg16 : memref<!tpu.dma_semaphore, #tpu.memory_space<semaphore_mem>>)
    %dma_start3A_910 = arith.constant 256 : i32
    %dma_start3A_911 = tpu.memref_slice %arg12[%dma_start3A_910] : memref<512xi32, #tpu.memory_space<vmem>> -> memref<256xi32, #tpu.memory_space<vmem>>
    %dma_start3A_912 = arith.constant 0 : i32
    %dma_start3A_913 = arith.constant 0 : i32
    %dma_start3A_914 = tpu.memref_slice %arg6[%dma_start3A_912, %dma_start3A_913] : memref<262144x128xi32, #tpu.memory_space<hbm>> -> memref<262144x128xi32, #tpu.memory_space<hbm>>
    tpu.enqueue_indirect_dma source(%dma_start3A_914 : memref<262144x128xi32, #tpu.memory_space<hbm>>) target(%arg15 : memref<256x128xi32, #tpu.memory_space<vmem>>) offsets(%dma_start3A_911 : memref<256xi32, #tpu.memory_space<vmem>>) semaphore(%arg17 : memref<!tpu.dma_semaphore, #tpu.memory_space<semaphore_mem>>)
    %dma_wait3A_915 = arith.constant 0 : i32
    %dma_wait3A_916 = tpu.memref_slice %arg12[%dma_wait3A_915] : memref<512xi32, #tpu.memory_space<vmem>> -> memref<256xi32, #tpu.memory_space<vmem>>
    %dma_wait3A_917 = arith.constant 0 : i32
    %dma_wait3A_918 = arith.constant 0 : i32
    %dma_wait3A_919 = tpu.memref_slice %arg6[%dma_wait3A_917, %dma_wait3A_918] : memref<262144x128xi32, #tpu.memory_space<hbm>> -> memref<262144x128xi32, #tpu.memory_space<hbm>>
    tpu.wait_indirect_dma semaphore(%arg16 : memref<!tpu.dma_semaphore, #tpu.memory_space<semaphore_mem>>) src(%dma_wait3A_919 : memref<262144x128xi32, #tpu.memory_space<hbm>>) dst(%arg14 : memref<256x128xi32, #tpu.memory_space<vmem>>)
    %dma_start3A_920 = arith.constant 0 : i32
    %dma_start3A_921 = tpu.memref_slice %arg10[%mul3A_2, %dma_start3A_920] : memref<16384x128xi32, #tpu.memory_space<hbm>> -> memref<256x128xi32, #tpu.memory_space<hbm>>
    %dma_start3A_922 = arith.constant 0 : i32
    %dma_start3A_923 = tpu.memref_slice %arg10[%mul3A_2, %dma_start3A_922] : memref<16384x128xi32, #tpu.memory_space<hbm>> -> memref<256x128xi32, #tpu.memory_space<hbm>>
    tpu.enqueue_dma source(%arg14 : memref<256x128xi32, #tpu.memory_space<vmem>>) target(%dma_start3A_923 : memref<256x128xi32, #tpu.memory_space<hbm>>) target_semaphore(%arg18 : memref<!tpu.dma_semaphore, #tpu.memory_space<semaphore_mem>>)
    %dma_wait3A_924 = arith.constant 256 : i32
    %dma_wait3A_925 = tpu.memref_slice %arg12[%dma_wait3A_924] : memref<512xi32, #tpu.memory_space<vmem>> -> memref<256xi32, #tpu.memory_space<vmem>>
    %dma_wait3A_926 = arith.constant 0 : i32
    %dma_wait3A_927 = arith.constant 0 : i32
    %dma_wait3A_928 = tpu.memref_slice %arg6[%dma_wait3A_926, %dma_wait3A_927] : memref<262144x128xi32, #tpu.memory_space<hbm>> -> memref<262144x128xi32, #tpu.memory_space<hbm>>
    tpu.wait_indirect_dma semaphore(%arg17 : memref<!tpu.dma_semaphore, #tpu.memory_space<semaphore_mem>>) src(%dma_wait3A_928 : memref<262144x128xi32, #tpu.memory_space<hbm>>) dst(%arg15 : memref<256x128xi32, #tpu.memory_space<vmem>>)
    %add3A_929 = arith.constant 256 : i32
    %add3A_930 = arith.addi %mul3A_2, %add3A_929 : i32
    %dma_start3A_931 = arith.constant 0 : i32
    %dma_start3A_932 = tpu.memref_slice %arg10[%add3A_930, %dma_start3A_931] : memref<16384x128xi32, #tpu.memory_space<hbm>> -> memref<256x128xi32, #tpu.memory_space<hbm>>
    %dma_start3A_933 = arith.constant 0 : i32
    %dma_start3A_934 = tpu.memref_slice %arg10[%add3A_930, %dma_start3A_933] : memref<16384x128xi32, #tpu.memory_space<hbm>> -> memref<256x128xi32, #tpu.memory_space<hbm>>
    tpu.enqueue_dma source(%arg15 : memref<256x128xi32, #tpu.memory_space<vmem>>) target(%dma_start3A_934 : memref<256x128xi32, #tpu.memory_space<hbm>>) target_semaphore(%arg19 : memref<!tpu.dma_semaphore, #tpu.memory_space<semaphore_mem>>)
    %dma_wait3A_935 = arith.constant 0 : i32
    %dma_wait3A_936 = tpu.memref_slice %arg10[%mul3A_2, %dma_wait3A_935] : memref<16384x128xi32, #tpu.memory_space<hbm>> -> memref<256x128xi32, #tpu.memory_space<hbm>>
    %dma_wait3A_937 = arith.constant 0 : i32
    %dma_wait3A_938 = tpu.memref_slice %arg10[%mul3A_2, %dma_wait3A_937] : memref<16384x128xi32, #tpu.memory_space<hbm>> -> memref<256x128xi32, #tpu.memory_space<hbm>>
    tpu.wait_dma2 semaphore(%arg18 : memref<!tpu.dma_semaphore, #tpu.memory_space<semaphore_mem>>) src(%arg14 : memref<256x128xi32, #tpu.memory_space<vmem>>) dst(%dma_wait3A_938 : memref<256x128xi32, #tpu.memory_space<hbm>>)
    %dma_wait3A_939 = arith.constant 0 : i32
    %dma_wait3A_940 = tpu.memref_slice %arg10[%add3A_930, %dma_wait3A_939] : memref<16384x128xi32, #tpu.memory_space<hbm>> -> memref<256x128xi32, #tpu.memory_space<hbm>>
    %dma_wait3A_941 = arith.constant 0 : i32
    %dma_wait3A_942 = tpu.memref_slice %arg10[%add3A_930, %dma_wait3A_941] : memref<16384x128xi32, #tpu.memory_space<hbm>> -> memref<256x128xi32, #tpu.memory_space<hbm>>
    tpu.wait_dma2 semaphore(%arg19 : memref<!tpu.dma_semaphore, #tpu.memory_space<semaphore_mem>>) src(%arg15 : memref<256x128xi32, #tpu.memory_space<vmem>>) dst(%dma_wait3A_942 : memref<256x128xi32, #tpu.memory_space<hbm>>)
    %dma_start3A_943 = arith.constant 0 : i32
    %dma_start3A_944 = tpu.memref_slice %arg13[%dma_start3A_943] : memref<512xi32, #tpu.memory_space<vmem>> -> memref<256xi32, #tpu.memory_space<vmem>>
    %dma_start3A_945 = arith.constant 0 : i32
    %dma_start3A_946 = arith.constant 0 : i32
    %dma_start3A_947 = tpu.memref_slice %arg7[%dma_start3A_945, %dma_start3A_946] : memref<262144x128xi32, #tpu.memory_space<hbm>> -> memref<262144x128xi32, #tpu.memory_space<hbm>>
    tpu.enqueue_indirect_dma source(%dma_start3A_947 : memref<262144x128xi32, #tpu.memory_space<hbm>>) target(%arg14 : memref<256x128xi32, #tpu.memory_space<vmem>>) offsets(%dma_start3A_944 : memref<256xi32, #tpu.memory_space<vmem>>) semaphore(%arg16 : memref<!tpu.dma_semaphore, #tpu.memory_space<semaphore_mem>>)
    %dma_start3A_948 = arith.constant 256 : i32
    %dma_start3A_949 = tpu.memref_slice %arg13[%dma_start3A_948] : memref<512xi32, #tpu.memory_space<vmem>> -> memref<256xi32, #tpu.memory_space<vmem>>
    %dma_start3A_950 = arith.constant 0 : i32
    %dma_start3A_951 = arith.constant 0 : i32
    %dma_start3A_952 = tpu.memref_slice %arg7[%dma_start3A_950, %dma_start3A_951] : memref<262144x128xi32, #tpu.memory_space<hbm>> -> memref<262144x128xi32, #tpu.memory_space<hbm>>
    tpu.enqueue_indirect_dma source(%dma_start3A_952 : memref<262144x128xi32, #tpu.memory_space<hbm>>) target(%arg15 : memref<256x128xi32, #tpu.memory_space<vmem>>) offsets(%dma_start3A_949 : memref<256xi32, #tpu.memory_space<vmem>>) semaphore(%arg17 : memref<!tpu.dma_semaphore, #tpu.memory_space<semaphore_mem>>)
    %dma_wait3A_953 = arith.constant 0 : i32
    %dma_wait3A_954 = tpu.memref_slice %arg13[%dma_wait3A_953] : memref<512xi32, #tpu.memory_space<vmem>> -> memref<256xi32, #tpu.memory_space<vmem>>
    %dma_wait3A_955 = arith.constant 0 : i32
    %dma_wait3A_956 = arith.constant 0 : i32
    %dma_wait3A_957 = tpu.memref_slice %arg7[%dma_wait3A_955, %dma_wait3A_956] : memref<262144x128xi32, #tpu.memory_space<hbm>> -> memref<262144x128xi32, #tpu.memory_space<hbm>>
    tpu.wait_indirect_dma semaphore(%arg16 : memref<!tpu.dma_semaphore, #tpu.memory_space<semaphore_mem>>) src(%dma_wait3A_957 : memref<262144x128xi32, #tpu.memory_space<hbm>>) dst(%arg14 : memref<256x128xi32, #tpu.memory_space<vmem>>)
    %dma_start3A_958 = arith.constant 0 : i32
    %dma_start3A_959 = tpu.memref_slice %arg11[%mul3A_2, %dma_start3A_958] : memref<16384x128xi32, #tpu.memory_space<hbm>> -> memref<256x128xi32, #tpu.memory_space<hbm>>
    %dma_start3A_960 = arith.constant 0 : i32
    %dma_start3A_961 = tpu.memref_slice %arg11[%mul3A_2, %dma_start3A_960] : memref<16384x128xi32, #tpu.memory_space<hbm>> -> memref<256x128xi32, #tpu.memory_space<hbm>>
    tpu.enqueue_dma source(%arg14 : memref<256x128xi32, #tpu.memory_space<vmem>>) target(%dma_start3A_961 : memref<256x128xi32, #tpu.memory_space<hbm>>) target_semaphore(%arg18 : memref<!tpu.dma_semaphore, #tpu.memory_space<semaphore_mem>>)
    %dma_wait3A_962 = arith.constant 256 : i32
    %dma_wait3A_963 = tpu.memref_slice %arg13[%dma_wait3A_962] : memref<512xi32, #tpu.memory_space<vmem>> -> memref<256xi32, #tpu.memory_space<vmem>>
    %dma_wait3A_964 = arith.constant 0 : i32
    %dma_wait3A_965 = arith.constant 0 : i32
    %dma_wait3A_966 = tpu.memref_slice %arg7[%dma_wait3A_964, %dma_wait3A_965] : memref<262144x128xi32, #tpu.memory_space<hbm>> -> memref<262144x128xi32, #tpu.memory_space<hbm>>
    tpu.wait_indirect_dma semaphore(%arg17 : memref<!tpu.dma_semaphore, #tpu.memory_space<semaphore_mem>>) src(%dma_wait3A_966 : memref<262144x128xi32, #tpu.memory_space<hbm>>) dst(%arg15 : memref<256x128xi32, #tpu.memory_space<vmem>>)
    %add3A_967 = arith.constant 256 : i32
    %add3A_968 = arith.addi %mul3A_2, %add3A_967 : i32
    %dma_start3A_969 = arith.constant 0 : i32
    %dma_start3A_970 = tpu.memref_slice %arg11[%add3A_968, %dma_start3A_969] : memref<16384x128xi32, #tpu.memory_space<hbm>> -> memref<256x128xi32, #tpu.memory_space<hbm>>
    %dma_start3A_971 = arith.constant 0 : i32
    %dma_start3A_972 = tpu.memref_slice %arg11[%add3A_968, %dma_start3A_971] : memref<16384x128xi32, #tpu.memory_space<hbm>> -> memref<256x128xi32, #tpu.memory_space<hbm>>
    tpu.enqueue_dma source(%arg15 : memref<256x128xi32, #tpu.memory_space<vmem>>) target(%dma_start3A_972 : memref<256x128xi32, #tpu.memory_space<hbm>>) target_semaphore(%arg19 : memref<!tpu.dma_semaphore, #tpu.memory_space<semaphore_mem>>)
    %dma_wait3A_973 = arith.constant 0 : i32
    %dma_wait3A_974 = tpu.memref_slice %arg11[%mul3A_2, %dma_wait3A_973] : memref<16384x128xi32, #tpu.memory_space<hbm>> -> memref<256x128xi32, #tpu.memory_space<hbm>>
    %dma_wait3A_975 = arith.constant 0 : i32
    %dma_wait3A_976 = tpu.memref_slice %arg11[%mul3A_2, %dma_wait3A_975] : memref<16384x128xi32, #tpu.memory_space<hbm>> -> memref<256x128xi32, #tpu.memory_space<hbm>>
    tpu.wait_dma2 semaphore(%arg18 : memref<!tpu.dma_semaphore, #tpu.memory_space<semaphore_mem>>) src(%arg14 : memref<256x128xi32, #tpu.memory_space<vmem>>) dst(%dma_wait3A_976 : memref<256x128xi32, #tpu.memory_space<hbm>>)
    %dma_wait3A_977 = arith.constant 0 : i32
    %dma_wait3A_978 = tpu.memref_slice %arg11[%add3A_968, %dma_wait3A_977] : memref<16384x128xi32, #tpu.memory_space<hbm>> -> memref<256x128xi32, #tpu.memory_space<hbm>>
    %dma_wait3A_979 = arith.constant 0 : i32
    %dma_wait3A_980 = tpu.memref_slice %arg11[%add3A_968, %dma_wait3A_979] : memref<16384x128xi32, #tpu.memory_space<hbm>> -> memref<256x128xi32, #tpu.memory_space<hbm>>
    tpu.wait_dma2 semaphore(%arg19 : memref<!tpu.dma_semaphore, #tpu.memory_space<semaphore_mem>>) src(%arg15 : memref<256x128xi32, #tpu.memory_space<vmem>>) dst(%dma_wait3A_980 : memref<256x128xi32, #tpu.memory_space<hbm>>)
    return
  }
}

module attributes {stable_mosaic.version = 14 : i64} {
  func.func @_mlp_body(%arg0: i32, %arg1: memref<2048x128xi32, #tpu.memory_space<vmem>>, %arg2: memref<2048x128xi32, #tpu.memory_space<vmem>>, %arg3: memref<2048x128xi32, #tpu.memory_space<vmem>>, %arg4: memref<2048x128xi32, #tpu.memory_space<vmem>>, %arg5: memref<2048x128xi32, #tpu.memory_space<vmem>>, %arg6: memref<2048x128xi32, #tpu.memory_space<vmem>>, %arg7: memref<64x128xf32, #tpu.memory_space<vmem>>, %arg8: memref<64x128xf32, #tpu.memory_space<vmem>>, %arg9: memref<1x128xf32, #tpu.memory_space<vmem>>, %arg10: memref<128x64xf32, #tpu.memory_space<vmem>>, %arg11: memref<1x64xf32, #tpu.memory_space<vmem>>, %arg12: memref<2048xf32, #tpu.memory_space<vmem>>) attributes {dimension_semantics = [#tpu.dimension_semantics<arbitrary>], iteration_bounds = array<i64: 8>, scalar_prefetch = 0 : i64, scratch_operands = 0 : i64, tpu.core_type = #tpu.core_type<tc>, window_params = [{transform_indices = @transform_0, window_bounds = array<i64: 2048, 128>}, {transform_indices = @transform_1, window_bounds = array<i64: 2048, 128>}, {transform_indices = @transform_2, window_bounds = array<i64: 2048, 128>}, {transform_indices = @transform_3, window_bounds = array<i64: 2048, 128>}, {transform_indices = @transform_4, window_bounds = array<i64: 2048, 128>}, {transform_indices = @transform_5, window_bounds = array<i64: 2048, 128>}, {pipeline_mode = #tpu.pipeline_mode<synchronous>, transform_indices = @transform_6, window_bounds = array<i64: 64, 128>}, {pipeline_mode = #tpu.pipeline_mode<synchronous>, transform_indices = @transform_7, window_bounds = array<i64: 64, 128>}, {pipeline_mode = #tpu.pipeline_mode<synchronous>, transform_indices = @transform_8, window_bounds = array<i64: 1, 128>}, {pipeline_mode = #tpu.pipeline_mode<synchronous>, transform_indices = @transform_9, window_bounds = array<i64: 128, 64>}, {pipeline_mode = #tpu.pipeline_mode<synchronous>, transform_indices = @transform_10, window_bounds = array<i64: 1, 64>}, {transform_indices = @transform_11, window_bounds = array<i64: 2048>}]} {
    %get3A = arith.constant 0 : index
    %get3A_0 = arith.constant 0 : index
    %get3A_1 = vector.load %arg1[%get3A, %get3A_0] : memref<2048x128xi32, #tpu.memory_space<vmem>>, vector<2048x128xi32>
    %get3A_2 = arith.constant 0 : index
    %get3A_3 = arith.constant 0 : index
    %get3A_4 = vector.load %arg2[%get3A_2, %get3A_3] : memref<2048x128xi32, #tpu.memory_space<vmem>>, vector<2048x128xi32>
    %get3A_5 = arith.constant 0 : index
    %get3A_6 = arith.constant 0 : index
    %get3A_7 = vector.load %arg3[%get3A_5, %get3A_6] : memref<2048x128xi32, #tpu.memory_space<vmem>>, vector<2048x128xi32>
    %slice3A = vector.extract_strided_slice %get3A_1 {offsets = [0, 0], sizes = [2048, 64], strides = [1, 1]} : vector<2048x128xi32> to vector<2048x64xi32>
    %shift_right_logical3A = arith.constant 19 : i32
    %shift_right_logical3A_8 = vector.broadcast %shift_right_logical3A : i32 to vector<2048x64xi32>
    %shift_right_logical3A_9 = arith.shrui %slice3A, %shift_right_logical3A_8 : vector<2048x64xi32>
    %and3A = arith.constant 1 : i32
    %and3A_10 = vector.broadcast %and3A : i32 to vector<2048x64xi32>
    %and3A_11 = arith.andi %shift_right_logical3A_9, %and3A_10 : vector<2048x64xi32>
    %eq3A = arith.constant 1 : i32
    %eq3A_12 = vector.broadcast %eq3A : i32 to vector<2048x64xi32>
    %eq3A_13 = arith.cmpi eq, %and3A_11, %eq3A_12 : vector<2048x64xi32>
    %slice3A_14 = vector.extract_strided_slice %get3A_7 {offsets = [0, 64], sizes = [2048, 64], strides = [1, 1]} : vector<2048x128xi32> to vector<2048x64xi32>
    %slice3A_15 = vector.extract_strided_slice %get3A_7 {offsets = [0, 0], sizes = [2048, 64], strides = [1, 1]} : vector<2048x128xi32> to vector<2048x64xi32>
    %select_n3A = arith.select %eq3A_13, %slice3A_14, %slice3A_15 : vector<2048x64xi1>, vector<2048x64xi32>
    %and3A_16 = arith.constant 1 : i32
    %and3A_17 = vector.broadcast %and3A_16 : i32 to vector<2048x64xi32>
    %and3A_18 = arith.andi %slice3A, %and3A_17 : vector<2048x64xi32>
    %eq3A_19 = arith.constant 1 : i32
    %eq3A_20 = vector.broadcast %eq3A_19 : i32 to vector<2048x64xi32>
    %eq3A_21 = arith.cmpi eq, %and3A_18, %eq3A_20 : vector<2048x64xi32>
    %and3A_22 = arith.constant -65536 : i32
    %and3A_23 = vector.broadcast %and3A_22 : i32 to vector<2048x64xi32>
    %and3A_24 = arith.andi %select_n3A, %and3A_23 : vector<2048x64xi32>
    %shift_left3A = arith.constant 16 : i32
    %shift_left3A_25 = vector.broadcast %shift_left3A : i32 to vector<2048x64xi32>
    %shift_left3A_26 = arith.shli %select_n3A, %shift_left3A_25 : vector<2048x64xi32>
    %select_n3A_27 = arith.select %eq3A_21, %and3A_24, %shift_left3A_26 : vector<2048x64xi1>, vector<2048x64xi32>
    %bitcast_convert_type3A = tpu.bitcast %select_n3A_27 : vector<2048x64xi32> -> vector<2048x64xf32>
    %get3A_28 = arith.constant 0 : index
    %get3A_29 = arith.constant 0 : index
    %get3A_30 = vector.load %arg4[%get3A_28, %get3A_29] : memref<2048x128xi32, #tpu.memory_space<vmem>>, vector<2048x128xi32>
    %slice3A_31 = vector.extract_strided_slice %get3A_4 {offsets = [0, 0], sizes = [2048, 64], strides = [1, 1]} : vector<2048x128xi32> to vector<2048x64xi32>
    %shift_right_logical3A_32 = arith.constant 19 : i32
    %shift_right_logical3A_33 = vector.broadcast %shift_right_logical3A_32 : i32 to vector<2048x64xi32>
    %shift_right_logical3A_34 = arith.shrui %slice3A_31, %shift_right_logical3A_33 : vector<2048x64xi32>
    %and3A_35 = arith.constant 1 : i32
    %and3A_36 = vector.broadcast %and3A_35 : i32 to vector<2048x64xi32>
    %and3A_37 = arith.andi %shift_right_logical3A_34, %and3A_36 : vector<2048x64xi32>
    %eq3A_38 = arith.constant 1 : i32
    %eq3A_39 = vector.broadcast %eq3A_38 : i32 to vector<2048x64xi32>
    %eq3A_40 = arith.cmpi eq, %and3A_37, %eq3A_39 : vector<2048x64xi32>
    %slice3A_41 = vector.extract_strided_slice %get3A_30 {offsets = [0, 64], sizes = [2048, 64], strides = [1, 1]} : vector<2048x128xi32> to vector<2048x64xi32>
    %slice3A_42 = vector.extract_strided_slice %get3A_30 {offsets = [0, 0], sizes = [2048, 64], strides = [1, 1]} : vector<2048x128xi32> to vector<2048x64xi32>
    %select_n3A_43 = arith.select %eq3A_40, %slice3A_41, %slice3A_42 : vector<2048x64xi1>, vector<2048x64xi32>
    %and3A_44 = arith.constant 1 : i32
    %and3A_45 = vector.broadcast %and3A_44 : i32 to vector<2048x64xi32>
    %and3A_46 = arith.andi %slice3A_31, %and3A_45 : vector<2048x64xi32>
    %eq3A_47 = arith.constant 1 : i32
    %eq3A_48 = vector.broadcast %eq3A_47 : i32 to vector<2048x64xi32>
    %eq3A_49 = arith.cmpi eq, %and3A_46, %eq3A_48 : vector<2048x64xi32>
    %and3A_50 = arith.constant -65536 : i32
    %and3A_51 = vector.broadcast %and3A_50 : i32 to vector<2048x64xi32>
    %and3A_52 = arith.andi %select_n3A_43, %and3A_51 : vector<2048x64xi32>
    %shift_left3A_53 = arith.constant 16 : i32
    %shift_left3A_54 = vector.broadcast %shift_left3A_53 : i32 to vector<2048x64xi32>
    %shift_left3A_55 = arith.shli %select_n3A_43, %shift_left3A_54 : vector<2048x64xi32>
    %select_n3A_56 = arith.select %eq3A_49, %and3A_52, %shift_left3A_55 : vector<2048x64xi1>, vector<2048x64xi32>
    %bitcast_convert_type3A_57 = tpu.bitcast %select_n3A_56 : vector<2048x64xi32> -> vector<2048x64xf32>
    %get3A_58 = arith.constant 0 : index
    %get3A_59 = arith.constant 0 : index
    %get3A_60 = vector.load %arg5[%get3A_58, %get3A_59] : memref<2048x128xi32, #tpu.memory_space<vmem>>, vector<2048x128xi32>
    %slice3A_61 = vector.extract_strided_slice %get3A_1 {offsets = [0, 0], sizes = [2048, 64], strides = [1, 1]} : vector<2048x128xi32> to vector<2048x64xi32>
    %shift_right_logical3A_62 = arith.constant 19 : i32
    %shift_right_logical3A_63 = vector.broadcast %shift_right_logical3A_62 : i32 to vector<2048x64xi32>
    %shift_right_logical3A_64 = arith.shrui %slice3A_61, %shift_right_logical3A_63 : vector<2048x64xi32>
    %and3A_65 = arith.constant 1 : i32
    %and3A_66 = vector.broadcast %and3A_65 : i32 to vector<2048x64xi32>
    %and3A_67 = arith.andi %shift_right_logical3A_64, %and3A_66 : vector<2048x64xi32>
    %eq3A_68 = arith.constant 1 : i32
    %eq3A_69 = vector.broadcast %eq3A_68 : i32 to vector<2048x64xi32>
    %eq3A_70 = arith.cmpi eq, %and3A_67, %eq3A_69 : vector<2048x64xi32>
    %slice3A_71 = vector.extract_strided_slice %get3A_60 {offsets = [0, 64], sizes = [2048, 64], strides = [1, 1]} : vector<2048x128xi32> to vector<2048x64xi32>
    %slice3A_72 = vector.extract_strided_slice %get3A_60 {offsets = [0, 0], sizes = [2048, 64], strides = [1, 1]} : vector<2048x128xi32> to vector<2048x64xi32>
    %select_n3A_73 = arith.select %eq3A_70, %slice3A_71, %slice3A_72 : vector<2048x64xi1>, vector<2048x64xi32>
    %and3A_74 = arith.constant 1 : i32
    %and3A_75 = vector.broadcast %and3A_74 : i32 to vector<2048x64xi32>
    %and3A_76 = arith.andi %slice3A_61, %and3A_75 : vector<2048x64xi32>
    %eq3A_77 = arith.constant 1 : i32
    %eq3A_78 = vector.broadcast %eq3A_77 : i32 to vector<2048x64xi32>
    %eq3A_79 = arith.cmpi eq, %and3A_76, %eq3A_78 : vector<2048x64xi32>
    %and3A_80 = arith.constant -65536 : i32
    %and3A_81 = vector.broadcast %and3A_80 : i32 to vector<2048x64xi32>
    %and3A_82 = arith.andi %select_n3A_73, %and3A_81 : vector<2048x64xi32>
    %shift_left3A_83 = arith.constant 16 : i32
    %shift_left3A_84 = vector.broadcast %shift_left3A_83 : i32 to vector<2048x64xi32>
    %shift_left3A_85 = arith.shli %select_n3A_73, %shift_left3A_84 : vector<2048x64xi32>
    %select_n3A_86 = arith.select %eq3A_79, %and3A_82, %shift_left3A_85 : vector<2048x64xi1>, vector<2048x64xi32>
    %bitcast_convert_type3A_87 = tpu.bitcast %select_n3A_86 : vector<2048x64xi32> -> vector<2048x64xf32>
    %get3A_88 = arith.constant 0 : index
    %get3A_89 = arith.constant 0 : index
    %get3A_90 = vector.load %arg6[%get3A_88, %get3A_89] : memref<2048x128xi32, #tpu.memory_space<vmem>>, vector<2048x128xi32>
    %slice3A_91 = vector.extract_strided_slice %get3A_4 {offsets = [0, 0], sizes = [2048, 64], strides = [1, 1]} : vector<2048x128xi32> to vector<2048x64xi32>
    %shift_right_logical3A_92 = arith.constant 19 : i32
    %shift_right_logical3A_93 = vector.broadcast %shift_right_logical3A_92 : i32 to vector<2048x64xi32>
    %shift_right_logical3A_94 = arith.shrui %slice3A_91, %shift_right_logical3A_93 : vector<2048x64xi32>
    %and3A_95 = arith.constant 1 : i32
    %and3A_96 = vector.broadcast %and3A_95 : i32 to vector<2048x64xi32>
    %and3A_97 = arith.andi %shift_right_logical3A_94, %and3A_96 : vector<2048x64xi32>
    %eq3A_98 = arith.constant 1 : i32
    %eq3A_99 = vector.broadcast %eq3A_98 : i32 to vector<2048x64xi32>
    %eq3A_100 = arith.cmpi eq, %and3A_97, %eq3A_99 : vector<2048x64xi32>
    %slice3A_101 = vector.extract_strided_slice %get3A_90 {offsets = [0, 64], sizes = [2048, 64], strides = [1, 1]} : vector<2048x128xi32> to vector<2048x64xi32>
    %slice3A_102 = vector.extract_strided_slice %get3A_90 {offsets = [0, 0], sizes = [2048, 64], strides = [1, 1]} : vector<2048x128xi32> to vector<2048x64xi32>
    %select_n3A_103 = arith.select %eq3A_100, %slice3A_101, %slice3A_102 : vector<2048x64xi1>, vector<2048x64xi32>
    %and3A_104 = arith.constant 1 : i32
    %and3A_105 = vector.broadcast %and3A_104 : i32 to vector<2048x64xi32>
    %and3A_106 = arith.andi %slice3A_91, %and3A_105 : vector<2048x64xi32>
    %eq3A_107 = arith.constant 1 : i32
    %eq3A_108 = vector.broadcast %eq3A_107 : i32 to vector<2048x64xi32>
    %eq3A_109 = arith.cmpi eq, %and3A_106, %eq3A_108 : vector<2048x64xi32>
    %and3A_110 = arith.constant -65536 : i32
    %and3A_111 = vector.broadcast %and3A_110 : i32 to vector<2048x64xi32>
    %and3A_112 = arith.andi %select_n3A_103, %and3A_111 : vector<2048x64xi32>
    %shift_left3A_113 = arith.constant 16 : i32
    %shift_left3A_114 = vector.broadcast %shift_left3A_113 : i32 to vector<2048x64xi32>
    %shift_left3A_115 = arith.shli %select_n3A_103, %shift_left3A_114 : vector<2048x64xi32>
    %select_n3A_116 = arith.select %eq3A_109, %and3A_112, %shift_left3A_115 : vector<2048x64xi1>, vector<2048x64xi32>
    %bitcast_convert_type3A_117 = tpu.bitcast %select_n3A_116 : vector<2048x64xi32> -> vector<2048x64xf32>
    %get3A_118 = arith.constant 0 : index
    %get3A_119 = arith.constant 0 : index
    %get3A_120 = vector.load %arg7[%get3A_118, %get3A_119] : memref<64x128xf32, #tpu.memory_space<vmem>>, vector<64x128xf32>
    %dot_general3A = arith.constant dense<0.000000e+00> : vector<2048x128xf32>
    %dot_general3A_121 = tpu.matmul %bitcast_convert_type3A_87, %get3A_120, %dot_general3A {dimension_numbers = #tpu.dot_dimension_numbers<[1], [0], [0], [1], [0, 0, 1, 1], [], []>, transpose_lhs_hint = false} : vector<2048x64xf32>, vector<64x128xf32>, vector<2048x128xf32> -> vector<2048x128xf32>
    %get3A_122 = arith.constant 0 : index
    %get3A_123 = arith.constant 0 : index
    %get3A_124 = vector.load %arg8[%get3A_122, %get3A_123] : memref<64x128xf32, #tpu.memory_space<vmem>>, vector<64x128xf32>
    %dot_general3A_125 = arith.constant dense<0.000000e+00> : vector<2048x128xf32>
    %dot_general3A_126 = tpu.matmul %bitcast_convert_type3A_117, %get3A_124, %dot_general3A_125 {dimension_numbers = #tpu.dot_dimension_numbers<[1], [0], [0], [1], [0, 0, 1, 1], [], []>, transpose_lhs_hint = false} : vector<2048x64xf32>, vector<64x128xf32>, vector<2048x128xf32> -> vector<2048x128xf32>
    %add3A = arith.addf %dot_general3A_121, %dot_general3A_126 : vector<2048x128xf32>
    %get3A_127 = arith.constant 0 : index
    %get3A_128 = arith.constant 0 : index
    %get3A_129 = vector.load %arg9[%get3A_127, %get3A_128] : memref<1x128xf32, #tpu.memory_space<vmem>>, vector<1x128xf32>
    %add3A_130 = vector.broadcast %get3A_129 : vector<1x128xf32> to vector<2048x128xf32>
    %add3A_131 = arith.addf %add3A, %add3A_130 : vector<2048x128xf32>
    %logistic3A = arith.negf %add3A_131 : vector<2048x128xf32>
    %logistic3A_132 = math.exp %logistic3A : vector<2048x128xf32>
    %logistic3A_133 = arith.constant 1.000000e+00 : f32
    %logistic3A_134 = vector.broadcast %logistic3A_133 : f32 to vector<2048x128xf32>
    %logistic3A_135 = arith.addf %logistic3A_134, %logistic3A_132 : vector<2048x128xf32>
    %logistic3A_136 = arith.divf %logistic3A_134, %logistic3A_135 : vector<2048x128xf32>
    %get3A_137 = arith.constant 0 : index
    %get3A_138 = arith.constant 0 : index
    %get3A_139 = vector.load %arg10[%get3A_137, %get3A_138] : memref<128x64xf32, #tpu.memory_space<vmem>>, vector<128x64xf32>
    %dot_general3A_140 = arith.constant dense<0.000000e+00> : vector<2048x64xf32>
    %dot_general3A_141 = tpu.matmul %logistic3A_136, %get3A_139, %dot_general3A_140 {dimension_numbers = #tpu.dot_dimension_numbers<[1], [0], [0], [1], [0, 0, 1, 1], [], []>, transpose_lhs_hint = false} : vector<2048x128xf32>, vector<128x64xf32>, vector<2048x64xf32> -> vector<2048x64xf32>
    %get3A_142 = arith.constant 0 : index
    %get3A_143 = arith.constant 0 : index
    %get3A_144 = vector.load %arg11[%get3A_142, %get3A_143] : memref<1x64xf32, #tpu.memory_space<vmem>>, vector<1x64xf32>
    %add3A_145 = vector.broadcast %get3A_144 : vector<1x64xf32> to vector<2048x64xf32>
    %add3A_146 = arith.addf %dot_general3A_141, %add3A_145 : vector<2048x64xf32>
    %logistic3A_147 = arith.negf %add3A_146 : vector<2048x64xf32>
    %logistic3A_148 = math.exp %logistic3A_147 : vector<2048x64xf32>
    %logistic3A_149 = arith.constant 1.000000e+00 : f32
    %logistic3A_150 = vector.broadcast %logistic3A_149 : f32 to vector<2048x64xf32>
    %logistic3A_151 = arith.addf %logistic3A_150, %logistic3A_148 : vector<2048x64xf32>
    %logistic3A_152 = arith.divf %logistic3A_150, %logistic3A_151 : vector<2048x64xf32>
    %mul3A = arith.mulf %bitcast_convert_type3A, %bitcast_convert_type3A_57 : vector<2048x64xf32>
    %reduce_sum3A = arith.constant dense<0.000000e+00> : vector<2048xf32>
    %reduce_sum3A_153 = vector.multi_reduction <add>, %mul3A, %reduce_sum3A [1] : vector<2048x64xf32> to vector<2048xf32>
    %reduce_sum3A_154 = arith.constant dense<0.000000e+00> : vector<2048xf32>
    %reduce_sum3A_155 = vector.multi_reduction <add>, %logistic3A_152, %reduce_sum3A_154 [1] : vector<2048x64xf32> to vector<2048xf32>
    %add3A_156 = arith.addf %reduce_sum3A_153, %reduce_sum3A_155 : vector<2048xf32>
    %swap3A = arith.constant 0 : index
    %swap3A_157 = vector.load %arg12[%swap3A] : memref<2048xf32, #tpu.memory_space<vmem>>, vector<2048xf32>
    tpu.vector_store %arg12[%swap3A], %add3A_156 {strides = array<i32>} : memref<2048xf32, #tpu.memory_space<vmem>>, vector<2048xf32>,
    return
  }
  func.func @transform_0(%arg0: i32) -> (i32, i32) {
    %c0_i32 = arith.constant 0 : i32
    %c0_i32_0 = arith.constant 0 : i32
    return %arg0, %c0_i32 : i32, i32
  }
  func.func @transform_1(%arg0: i32) -> (i32, i32) {
    %c0_i32 = arith.constant 0 : i32
    %c0_i32_0 = arith.constant 0 : i32
    return %arg0, %c0_i32 : i32, i32
  }
  func.func @transform_2(%arg0: i32) -> (i32, i32) {
    %c0_i32 = arith.constant 0 : i32
    %c0_i32_0 = arith.constant 0 : i32
    return %arg0, %c0_i32 : i32, i32
  }
  func.func @transform_3(%arg0: i32) -> (i32, i32) {
    %c0_i32 = arith.constant 0 : i32
    %c0_i32_0 = arith.constant 0 : i32
    return %arg0, %c0_i32 : i32, i32
  }
  func.func @transform_4(%arg0: i32) -> (i32, i32) {
    %c0_i32 = arith.constant 0 : i32
    %c0_i32_0 = arith.constant 0 : i32
    return %arg0, %c0_i32 : i32, i32
  }
  func.func @transform_5(%arg0: i32) -> (i32, i32) {
    %c0_i32 = arith.constant 0 : i32
    %c0_i32_0 = arith.constant 0 : i32
    return %arg0, %c0_i32 : i32, i32
  }
  func.func @transform_6(%arg0: i32) -> (i32, i32) {
    %c0_i32 = arith.constant 0 : i32
    %c0_i32_0 = arith.constant 0 : i32
    %c0_i32_1 = arith.constant 0 : i32
    return %c0_i32, %c0_i32_0 : i32, i32
  }
  func.func @transform_7(%arg0: i32) -> (i32, i32) {
    %c0_i32 = arith.constant 0 : i32
    %c0_i32_0 = arith.constant 0 : i32
    %c0_i32_1 = arith.constant 0 : i32
    return %c0_i32, %c0_i32_0 : i32, i32
  }
  func.func @transform_8(%arg0: i32) -> (i32, i32) {
    %c0_i32 = arith.constant 0 : i32
    %c0_i32_0 = arith.constant 0 : i32
    %c0_i32_1 = arith.constant 0 : i32
    return %c0_i32, %c0_i32_0 : i32, i32
  }
  func.func @transform_9(%arg0: i32) -> (i32, i32) {
    %c0_i32 = arith.constant 0 : i32
    %c0_i32_0 = arith.constant 0 : i32
    %c0_i32_1 = arith.constant 0 : i32
    return %c0_i32, %c0_i32_0 : i32, i32
  }
  func.func @transform_10(%arg0: i32) -> (i32, i32) {
    %c0_i32 = arith.constant 0 : i32
    %c0_i32_0 = arith.constant 0 : i32
    %c0_i32_1 = arith.constant 0 : i32
    return %c0_i32, %c0_i32_0 : i32, i32
  }
  func.func @transform_11(%arg0: i32) -> i32 {
    %c0_i32 = arith.constant 0 : i32
    return %arg0 : i32
  }
}

module attributes {stable_mosaic.version = 14 : i64} {
  func.func @_prep_body(%arg0: i32, %arg1: memref<64x8192xf32, #tpu.memory_space<vmem>>, %arg2: memref<64x8192xf32, #tpu.memory_space<vmem>>, %arg3: memref<64x8192xf32, #tpu.memory_space<vmem>>, %arg4: memref<64x8192xf32, #tpu.memory_space<vmem>>, %arg5: memref<64x8192xf32, #tpu.memory_space<vmem>>, %arg6: memref<64x8192xf32, #tpu.memory_space<vmem>>, %arg7: memref<64x8192xf32, #tpu.memory_space<vmem>>, %arg8: memref<64x8192xf32, #tpu.memory_space<vmem>>, %arg9: memref<4096x128xi32, #tpu.memory_space<vmem>>, %arg10: memref<4096x128xi32, #tpu.memory_space<vmem>>, %arg11: memref<4096x128xi32, #tpu.memory_space<vmem>>, %arg12: memref<4096x128xi32, #tpu.memory_space<vmem>>) attributes {dimension_semantics = [#tpu.dimension_semantics<arbitrary>], iteration_bounds = array<i64: 64>, scalar_prefetch = 0 : i64, scratch_operands = 0 : i64, tpu.core_type = #tpu.core_type<tc>, window_params = [{transform_indices = @transform_0, window_bounds = array<i64: 64, 8192>}, {transform_indices = @transform_1, window_bounds = array<i64: 64, 8192>}, {transform_indices = @transform_2, window_bounds = array<i64: 64, 8192>}, {transform_indices = @transform_3, window_bounds = array<i64: 64, 8192>}, {transform_indices = @transform_4, window_bounds = array<i64: 64, 8192>}, {transform_indices = @transform_5, window_bounds = array<i64: 64, 8192>}, {transform_indices = @transform_6, window_bounds = array<i64: 64, 8192>}, {transform_indices = @transform_7, window_bounds = array<i64: 64, 8192>}, {transform_indices = @transform_8, window_bounds = array<i64: 4096, 128>}, {transform_indices = @transform_9, window_bounds = array<i64: 4096, 128>}, {transform_indices = @transform_10, window_bounds = array<i64: 4096, 128>}, {transform_indices = @transform_11, window_bounds = array<i64: 4096, 128>}]} {
    %get3A = arith.constant 0 : index
    %get3A_0 = arith.constant 0 : index
    %get3A_1 = vector.load %arg1[%get3A, %get3A_0] : memref<64x8192xf32, #tpu.memory_space<vmem>>, vector<64x8192xf32>
    %convert_element_type3A = arith.truncf %get3A_1 : vector<64x8192xf32> to vector<64x8192xbf16>
    %transpose3A = tpu.transpose %convert_element_type3A, [1, 0] : vector<64x8192xbf16> -> vector<8192x64xbf16>
    %bitcast3A = tpu.bitcast %transpose3A : vector<8192x64xbf16> -> vector<4096x64xi32>
    %get3A_2 = arith.constant 0 : index
    %get3A_3 = arith.constant 0 : index
    %get3A_4 = vector.load %arg2[%get3A_2, %get3A_3] : memref<64x8192xf32, #tpu.memory_space<vmem>>, vector<64x8192xf32>
    %convert_element_type3A_5 = arith.truncf %get3A_4 : vector<64x8192xf32> to vector<64x8192xbf16>
    %transpose3A_6 = tpu.transpose %convert_element_type3A_5, [1, 0] : vector<64x8192xbf16> -> vector<8192x64xbf16>
    %bitcast3A_7 = tpu.bitcast %transpose3A_6 : vector<8192x64xbf16> -> vector<4096x64xi32>
    %concatenate3A = tpu.concatenate %bitcast3A, %bitcast3A_7 in 1 : vector<4096x64xi32>, vector<4096x64xi32> -> vector<4096x128xi32>
    %swap3A = arith.constant 0 : index
    %swap3A_8 = arith.constant 0 : index
    %swap3A_9 = vector.load %arg9[%swap3A, %swap3A_8] : memref<4096x128xi32, #tpu.memory_space<vmem>>, vector<4096x128xi32>
    tpu.vector_store %arg9[%swap3A, %swap3A_8], %concatenate3A {strides = array<i32>} : memref<4096x128xi32, #tpu.memory_space<vmem>>, vector<4096x128xi32>,
    %get3A_10 = arith.constant 0 : index
    %get3A_11 = arith.constant 0 : index
    %get3A_12 = vector.load %arg3[%get3A_10, %get3A_11] : memref<64x8192xf32, #tpu.memory_space<vmem>>, vector<64x8192xf32>
    %convert_element_type3A_13 = arith.truncf %get3A_12 : vector<64x8192xf32> to vector<64x8192xbf16>
    %transpose3A_14 = tpu.transpose %convert_element_type3A_13, [1, 0] : vector<64x8192xbf16> -> vector<8192x64xbf16>
    %bitcast3A_15 = tpu.bitcast %transpose3A_14 : vector<8192x64xbf16> -> vector<4096x64xi32>
    %get3A_16 = arith.constant 0 : index
    %get3A_17 = arith.constant 0 : index
    %get3A_18 = vector.load %arg4[%get3A_16, %get3A_17] : memref<64x8192xf32, #tpu.memory_space<vmem>>, vector<64x8192xf32>
    %convert_element_type3A_19 = arith.truncf %get3A_18 : vector<64x8192xf32> to vector<64x8192xbf16>
    %transpose3A_20 = tpu.transpose %convert_element_type3A_19, [1, 0] : vector<64x8192xbf16> -> vector<8192x64xbf16>
    %bitcast3A_21 = tpu.bitcast %transpose3A_20 : vector<8192x64xbf16> -> vector<4096x64xi32>
    %concatenate3A_22 = tpu.concatenate %bitcast3A_15, %bitcast3A_21 in 1 : vector<4096x64xi32>, vector<4096x64xi32> -> vector<4096x128xi32>
    %swap3A_23 = arith.constant 0 : index
    %swap3A_24 = arith.constant 0 : index
    %swap3A_25 = vector.load %arg10[%swap3A_23, %swap3A_24] : memref<4096x128xi32, #tpu.memory_space<vmem>>, vector<4096x128xi32>
    tpu.vector_store %arg10[%swap3A_23, %swap3A_24], %concatenate3A_22 {strides = array<i32>} : memref<4096x128xi32, #tpu.memory_space<vmem>>, vector<4096x128xi32>,
    %get3A_26 = arith.constant 0 : index
    %get3A_27 = arith.constant 0 : index
    %get3A_28 = vector.load %arg5[%get3A_26, %get3A_27] : memref<64x8192xf32, #tpu.memory_space<vmem>>, vector<64x8192xf32>
    %convert_element_type3A_29 = arith.truncf %get3A_28 : vector<64x8192xf32> to vector<64x8192xbf16>
    %transpose3A_30 = tpu.transpose %convert_element_type3A_29, [1, 0] : vector<64x8192xbf16> -> vector<8192x64xbf16>
    %bitcast3A_31 = tpu.bitcast %transpose3A_30 : vector<8192x64xbf16> -> vector<4096x64xi32>
    %get3A_32 = arith.constant 0 : index
    %get3A_33 = arith.constant 0 : index
    %get3A_34 = vector.load %arg6[%get3A_32, %get3A_33] : memref<64x8192xf32, #tpu.memory_space<vmem>>, vector<64x8192xf32>
    %convert_element_type3A_35 = arith.truncf %get3A_34 : vector<64x8192xf32> to vector<64x8192xbf16>
    %transpose3A_36 = tpu.transpose %convert_element_type3A_35, [1, 0] : vector<64x8192xbf16> -> vector<8192x64xbf16>
    %bitcast3A_37 = tpu.bitcast %transpose3A_36 : vector<8192x64xbf16> -> vector<4096x64xi32>
    %concatenate3A_38 = tpu.concatenate %bitcast3A_31, %bitcast3A_37 in 1 : vector<4096x64xi32>, vector<4096x64xi32> -> vector<4096x128xi32>
    %swap3A_39 = arith.constant 0 : index
    %swap3A_40 = arith.constant 0 : index
    %swap3A_41 = vector.load %arg11[%swap3A_39, %swap3A_40] : memref<4096x128xi32, #tpu.memory_space<vmem>>, vector<4096x128xi32>
    tpu.vector_store %arg11[%swap3A_39, %swap3A_40], %concatenate3A_38 {strides = array<i32>} : memref<4096x128xi32, #tpu.memory_space<vmem>>, vector<4096x128xi32>,
    %get3A_42 = arith.constant 0 : index
    %get3A_43 = arith.constant 0 : index
    %get3A_44 = vector.load %arg7[%get3A_42, %get3A_43] : memref<64x8192xf32, #tpu.memory_space<vmem>>, vector<64x8192xf32>
    %convert_element_type3A_45 = arith.truncf %get3A_44 : vector<64x8192xf32> to vector<64x8192xbf16>
    %transpose3A_46 = tpu.transpose %convert_element_type3A_45, [1, 0] : vector<64x8192xbf16> -> vector<8192x64xbf16>
    %bitcast3A_47 = tpu.bitcast %transpose3A_46 : vector<8192x64xbf16> -> vector<4096x64xi32>
    %get3A_48 = arith.constant 0 : index
    %get3A_49 = arith.constant 0 : index
    %get3A_50 = vector.load %arg8[%get3A_48, %get3A_49] : memref<64x8192xf32, #tpu.memory_space<vmem>>, vector<64x8192xf32>
    %convert_element_type3A_51 = arith.truncf %get3A_50 : vector<64x8192xf32> to vector<64x8192xbf16>
    %transpose3A_52 = tpu.transpose %convert_element_type3A_51, [1, 0] : vector<64x8192xbf16> -> vector<8192x64xbf16>
    %bitcast3A_53 = tpu.bitcast %transpose3A_52 : vector<8192x64xbf16> -> vector<4096x64xi32>
    %concatenate3A_54 = tpu.concatenate %bitcast3A_47, %bitcast3A_53 in 1 : vector<4096x64xi32>, vector<4096x64xi32> -> vector<4096x128xi32>
    %swap3A_55 = arith.constant 0 : index
    %swap3A_56 = arith.constant 0 : index
    %swap3A_57 = vector.load %arg12[%swap3A_55, %swap3A_56] : memref<4096x128xi32, #tpu.memory_space<vmem>>, vector<4096x128xi32>
    tpu.vector_store %arg12[%swap3A_55, %swap3A_56], %concatenate3A_54 {strides = array<i32>} : memref<4096x128xi32, #tpu.memory_space<vmem>>, vector<4096x128xi32>,
    return
  }
  func.func @transform_0(%arg0: i32) -> (i32, i32) {
    %add3A = arith.constant 0 : i32
    %add3A_0 = arith.addi %arg0, %add3A : i32
    %min3A = arith.constant 122 : i32
    %min3A_1 = arith.minsi %add3A_0, %min3A : i32
    %c0_i32 = arith.constant 0 : i32
    %c0_i32_2 = arith.constant 0 : i32
    return %c0_i32, %min3A_1 : i32, i32
  }
  func.func @transform_1(%arg0: i32) -> (i32, i32) {
    %add3A = arith.constant 64 : i32
    %add3A_0 = arith.addi %arg0, %add3A : i32
    %min3A = arith.constant 122 : i32
    %min3A_1 = arith.minsi %add3A_0, %min3A : i32
    %c0_i32 = arith.constant 0 : i32
    %c0_i32_2 = arith.constant 0 : i32
    return %c0_i32, %min3A_1 : i32, i32
  }
  func.func @transform_2(%arg0: i32) -> (i32, i32) {
    %add3A = arith.constant 0 : i32
    %add3A_0 = arith.addi %arg0, %add3A : i32
    %min3A = arith.constant 122 : i32
    %min3A_1 = arith.minsi %add3A_0, %min3A : i32
    %c0_i32 = arith.constant 0 : i32
    %c0_i32_2 = arith.constant 0 : i32
    return %c0_i32, %min3A_1 : i32, i32
  }
  func.func @transform_3(%arg0: i32) -> (i32, i32) {
    %add3A = arith.constant 64 : i32
    %add3A_0 = arith.addi %arg0, %add3A : i32
    %min3A = arith.constant 122 : i32
    %min3A_1 = arith.minsi %add3A_0, %min3A : i32
    %c0_i32 = arith.constant 0 : i32
    %c0_i32_2 = arith.constant 0 : i32
    return %c0_i32, %min3A_1 : i32, i32
  }
  func.func @transform_4(%arg0: i32) -> (i32, i32) {
    %add3A = arith.constant 0 : i32
    %add3A_0 = arith.addi %arg0, %add3A : i32
    %min3A = arith.constant 122 : i32
    %min3A_1 = arith.minsi %add3A_0, %min3A : i32
    %c0_i32 = arith.constant 0 : i32
    %c0_i32_2 = arith.constant 0 : i32
    return %c0_i32, %min3A_1 : i32, i32
  }
  func.func @transform_5(%arg0: i32) -> (i32, i32) {
    %add3A = arith.constant 64 : i32
    %add3A_0 = arith.addi %arg0, %add3A : i32
    %min3A = arith.constant 122 : i32
    %min3A_1 = arith.minsi %add3A_0, %min3A : i32
    %c0_i32 = arith.constant 0 : i32
    %c0_i32_2 = arith.constant 0 : i32
    return %c0_i32, %min3A_1 : i32, i32
  }
  func.func @transform_6(%arg0: i32) -> (i32, i32) {
    %add3A = arith.constant 0 : i32
    %add3A_0 = arith.addi %arg0, %add3A : i32
    %min3A = arith.constant 122 : i32
    %min3A_1 = arith.minsi %add3A_0, %min3A : i32
    %c0_i32 = arith.constant 0 : i32
    %c0_i32_2 = arith.constant 0 : i32
    return %c0_i32, %min3A_1 : i32, i32
  }
  func.func @transform_7(%arg0: i32) -> (i32, i32) {
    %add3A = arith.constant 64 : i32
    %add3A_0 = arith.addi %arg0, %add3A : i32
    %min3A = arith.constant 122 : i32
    %min3A_1 = arith.minsi %add3A_0, %min3A : i32
    %c0_i32 = arith.constant 0 : i32
    %c0_i32_2 = arith.constant 0 : i32
    return %c0_i32, %min3A_1 : i32, i32
  }
  func.func @transform_8(%arg0: i32) -> (i32, i32) {
    %c0_i32 = arith.constant 0 : i32
    %c0_i32_0 = arith.constant 0 : i32
    return %arg0, %c0_i32 : i32, i32
  }
  func.func @transform_9(%arg0: i32) -> (i32, i32) {
    %c0_i32 = arith.constant 0 : i32
    %c0_i32_0 = arith.constant 0 : i32
    return %arg0, %c0_i32 : i32, i32
  }
  func.func @transform_10(%arg0: i32) -> (i32, i32) {
    %c0_i32 = arith.constant 0 : i32
    %c0_i32_0 = arith.constant 0 : i32
    return %arg0, %c0_i32 : i32, i32
  }
  func.func @transform_11(%arg0: i32) -> (i32, i32) {
    %c0_i32 = arith.constant 0 : i32
    %c0_i32_0 = arith.constant 0 : i32
    return %arg0, %c0_i32 : i32, i32
  }
}

</mosaic_0001>

<sc_bundles>
// kernel: kernel.5.cloned.1.call-start
scs
__scs_entry_jumppad:
0x0: {  	(pc) =	sbr.rel $0x88, $3  }
0x1: {  	(tag) =	ssettag $0x0;
	lr =	simm.s32 $0x1  }
0x2: {  	[smem:$0x3F97] =	sst lr;
	_ =	strace $0xD0000000  }
0x3: {  	_ = 	snop  }
0x4: {  	_ = 	snop  }
0x5: {  	_ = 	snop  }
0x6: {  	_ = 	snop  }
0x7: {  	_ = 	snop  }
__scs_overlays_trampoline_lowered:
0x8: {  	[smem:$0x3FA6] =	sst s0  }
0x9: {  	[smem:$0x3FA7] =	sst s1  }
0xa: {  	[smem:$0x3FA8] =	sst s2  }
0xb: {  	[smem:$0x3FA9] =	sst s3  }
0xc: {  	[smem:$0x3FAA] =	sst s4  }
0xd: {  	[smem:$0x3FAB] =	sst s5  }
0xe: {  	[smem:$0x3FAC] =	sst s6  }
0xf: {  	[smem:$0x3FAD] =	sst s7  }
0x10: {  	[smem:$0x3FAE] =	sst s8  }
0x11: {  	[smem:$0x3FAF] =	sst s9;
	s0 =	simm.s32 @!p0 $0x0  }
0x12: {  	s1 =	sld [smem:$0x3F95];
	s0 =	simm.s32 @p0 $0x1  }
0x13: {  	[smem:$0x3FB0] =	sst s0;
	s0 =	simm.s32 @!p1 $0x0  }
0x14: {  	s2 =	sld [smem:$0x3F94];
	s0 =	simm.s32 @p1 $0x1  }
0x15: {  	[smem:$0x3FB1] =	sst s0;
	s0 =	simm.s32 @!p2 $0x0  }
0x16: {  	s3 =	sld [smem:$0x3FDB];
	s0 =	simm.s32 @p2 $0x1  }
0x17: {  	s4 =	simm.s32 $0x1BF5;
	[smem:$0x3FB3] =	sst s0  }
0x18: {  	s0 =	sld [smem:$0x3F96];
	_ =	swait.ge [sflag:s4], $0x0  }
0x19: {  	s7 =	sld [smem:$0x3F97]  }
0x1a: {  	s8 =	sadd.s32 $0xFFFFE003, lr  }
0x1b: {  	s9 =	sadd.s32 $0xFFFFFEF7, lr;
	s5 =	simm.s32 $0xFFFFFFFF;
	p2 =	slt.u32 s8, $0xFFFFF086  }
0x1c: {  	p1 =	slt.u32 s9, $0xF7A;
	s5 =	simm.s32 @!p2 $0x0  }
0x1d: {  	s5 =	simm.s32 @p1 $0x1;
	p0 =	seq.s32 s7, s2  }
0x1e: {  	s7 =	smul.u32 @!p0 $0xF7A, s2;
	p2 =	seq.s32 @!p0 s5, $0x0  }
0x1f: {  	s9 =	smul.u32 $0xF7A, s1;
	s8 =	simm.s32 @!p0 $0x1BF5;
	p2 =	por !p2, p0  }
0x20: {  	[sflag:s8] =	ssyncset.s32 @!p0 $0xFFFFF086;
	s6 =	sadd.s32 @!p0 s3, s7;
	s7 =	simm.s32 @!p0 $0x108  }
0x21: {  	s3 =	sadd.s32 s3, s9;
	s6 =	sadd.s32 @!p0 $0x88, s6;
	s7 =	simm.s32 @p2 $0x1082  }
0x22: {  	[simem:s7], [sflag:s8] =	dma.local @!p0 [hbm:s6], $0xF7A  }
0x23: {  	s9 =	sor.u32 $0xD0000000, s2;
	s6 =	simm.s32 $0x108;
	_ =	swait.ge @!p0 [sflag:s8], $0x0  }
0x24: {  	s3 =	sadd.s32 $0x88, s3;
	s6 =	simm.s32 @!p1 $0x1082;
	[sflag:s4] =	ssyncset.s32 $0xFFFFF086  }
0x25: {  	[simem:s6], [sflag:s4] =	dma.local [hbm:s3], $0xF7A  }
0x26: {  	[smem:$0x3F97] =	sst s1;
	(tag) =	ssettag s2;
	_ =	strace s9  }
0x27: {  	s1 =	sld [smem:$0x3FA7]  }
0x28: {  	s2 =	sld [smem:$0x3FA8]  }
0x29: {  	s4 =	sld [smem:$0x3FAA]  }
0x2a: {  	p0 =	seq.s32 s5, $0x0;
	s5 =	sld [smem:$0x3FAB]  }
0x2b: {  	s6 =	sld [smem:$0x3FAC]  }
0x2c: {  	s7 =	sld [smem:$0x3FAD]  }
0x2d: {  	s3 =	simm.s32 $0x108;
	s8 =	sld [smem:$0x3FAE]  }
0x2e: {  	s3 =	simm.s32 @!p0 $0x1082;
	s9 =	sld [smem:$0x3FAF]  }
0x2f: {  	lr =	sadd.s32 s0, s3;
	s0 =	sld [smem:$0x3FA6]  }
0x30: {  	s3 =	sld [smem:$0x3FA9]  }
0x31: {  	[smem:$0x3FB2] =	sst s10  }
0x32: {  	s10 =	sld [smem:$0x3FB0];
	_ =	sdelay $0x3  }
0x33: {  	p0 =	seq.s32 s10, $0x1;
	s10 =	sld [smem:$0x3FB2];
	_ =	sdelay $0x3  }
0x34: {  	[smem:$0x3FB2] =	sst s10  }
0x35: {  	s10 =	sld [smem:$0x3FB1];
	_ =	sdelay $0x3  }
0x36: {  	p1 =	seq.s32 s10, $0x1;
	s10 =	sld [smem:$0x3FB2];
	_ =	sdelay $0x3  }
0x37: {  	[smem:$0x3FB2] =	sst s10  }
0x38: {  	s10 =	sld [smem:$0x3FB3]  }
0x39: {  	_ = 	snop;
	(pc) =	sbr.ind lr, $3  }
0x3a: {  	_ = 	snop  }
0x3b: {  	_ = 	snop  }
0x3c: {  	p2 =	seq.s32 s10, $0x1;
	s10 =	sld [smem:$0x3FB2]  }
0x3d: {  	_ =	shalt  }
0x3e: {  	_ =	shalt  }
0x3f: {  	_ =	shalt  }
0x40: {  	_ =	shalt  }
0x41: {  	_ =	shalt  }
0x42: {  	_ =	shalt  }
0x43: {  	_ =	shalt  }
0x44: {  	_ =	shalt  }
0x45: {  	_ =	shalt  }
0x46: {  	_ =	shalt  }
0x47: {  	_ =	shalt  }
0x48: {  	_ =	shalt  }
0x49: {  	_ =	shalt  }
0x4a: {  	_ =	shalt  }
0x4b: {  	_ =	shalt  }
0x4c: {  	_ =	shalt  }
0x4d: {  	_ =	shalt  }
0x4e: {  	_ =	shalt  }
0x4f: {  	_ =	shalt  }
0x50: {  	_ =	shalt  }
0x51: {  	_ =	shalt  }
0x52: {  	_ =	shalt  }
0x53: {  	_ =	shalt  }
0x54: {  	_ =	shalt  }
0x55: {  	_ =	shalt  }
0x56: {  	_ =	shalt  }
0x57: {  	_ =	shalt  }
0x58: {  	_ =	shalt  }
0x59: {  	_ =	shalt  }
0x5a: {  	_ =	shalt  }
0x5b: {  	_ =	shalt  }
0x5c: {  	_ =	shalt  }
0x5d: {  	_ =	shalt  }
0x5e: {  	_ =	shalt  }
0x5f: {  	_ =	shalt  }
0x60: {  	_ =	shalt  }
0x61: {  	_ =	shalt  }
0x62: {  	_ =	shalt  }
0x63: {  	_ =	shalt  }
0x64: {  	_ =	shalt  }
0x65: {  	_ =	shalt  }
0x66: {  	_ =	shalt  }
0x67: {  	_ =	shalt  }
0x68: {  	_ =	shalt  }
0x69: {  	_ =	shalt  }
0x6a: {  	_ =	shalt  }
0x6b: {  	_ =	shalt  }
0x6c: {  	_ =	shalt  }
0x6d: {  	_ =	shalt  }
0x6e: {  	_ =	shalt  }
0x6f: {  	_ =	shalt  }
0x70: {  	_ =	shalt  }
0x71: {  	_ =	shalt  }
0x72: {  	_ =	shalt  }
0x73: {  	_ =	shalt  }
0x74: {  	_ =	shalt  }
0x75: {  	_ =	shalt  }
0x76: {  	_ =	shalt  }
0x77: {  	_ =	shalt  }
0x78: {  	_ =	shalt  }
0x79: {  	_ =	shalt  }
0x7a: {  	_ =	shalt  }
0x7b: {  	_ =	shalt  }
0x7c: {  	_ =	shalt  }
0x7d: {  	_ =	shalt  }
0x7e: {  	_ =	shalt  }
0x7f: {  	_ =	shalt  }
0x80: {  	_ =	shalt  }
0x81: {  	_ =	shalt  }
0x82: {  	_ =	shalt  }
0x83: {  	_ =	shalt  }
0x84: {  	_ =	shalt  }
0x85: {  	_ =	shalt  }
0x86: {  	_ =	shalt  }
0x87: {  	_ =	shalt  }
.Lfunc_end0:
.L_simem_size_0:
called_computation_lowered:
.L_overlay_start_0:
0x88: {  	s2 =	sld [smem:$0x3FD9]  }
0x89: {  	s3 =	sld [smem:$0x3FFE];
	_ =	sdelay $0x1  }
0x8a: {  	s1 =	srdreg.scid  }
0x8b: {  	s0 =	sand.u32 $0x1, s1  }
0x8c: {  	s17 =	sshll.u32 s0, $0xA;
	s2 =	sadd.s32 s3, s2  }
0x8d: {  	s2 =	sadd.s32 s2, s17  }
0x8e: {  	[smem:$0x3FBE] =	sst s2  }
0x8f: {  	_ = 	snop  }
0x90: {  	s2 =	sld [smem:$0x3FC9]  }
0x91: {  	s18 =	sld [smem:$0x3FC8];
	(tm) =	ssettm $0x1  }
0x92: {  	s4 =	sld [smem:$0x3FFB];
	_ =	sdelay $0x3  }
0x93: {  	_ =	strace s4  }
0x94: {  	s4 =	sld [smem:$0x3FFC];
	_ =	sdelay $0x3  }
0x95: {  	_ =	strace s4  }
0x96: {  	s4 =	sld [smem:$0x3FFD];
	_ =	sdelay $0x3  }
0x97: {  	_ =	strace s4  }
0x98: {  	_ =	strace $0x8FFFFFFF  }
0x99: {  	s19 =	sld [smem:$0x3FDB];
	_ =	sdelay $0x1  }
0x9a: {  	s5 =	simm.s32 $_scs_section_size  }
0x9b: {  	s6 =	simm.s32 $_size__tile_overlayer_lowered;
	s7 =	simm.s32 $_tile_overlayer_lowered  }
0x9c: {  	s22 =	simm.s32 $0x1BFF;
	s21 =	sshll.u32 s7, $0x1;
	s4 =	sadd.s32 s5, s19  }
0x9d: {  	s8 =	simm.s32 $0x0;
	s20 =	sshll.u32 s6, $0x1;
	s6 =	sadd.s32 s21, s4  }
0x9e: {  	[timem:s8], [sflag:s22] =	dma.local [hbm:s6], s20  }
0x9f: {  	_ =	swait.ge [sflag:s22], s20  }
0xa0: {  	s5 =	ssub.s32 $0x0, s20;
	[sflag:s22] =	ssyncset.done $0x0  }
0xa1: {  	[sflag:s22] =	ssyncadd.s32 s5;
	_ =	sdelay $0x1  }
0xa2: {  	s23 =	simm.s32 $0x1B8B  }
0xa3: {  	_ =	swait.ge [sflag:s23], $0x1  }
0xa4: {  	[sflag:s23] =	ssyncset.done $0x0  }
0xa5: {  	s25 =	simm.s32 $0x1B8E;
	s24 =	sld [smem:$0x3FFE];
	[sflag:s23] =	ssyncadd.s32 $0xFFFFFFFF  }
0xa6: {  	s26 =	simm.s32 $execute0_lowered;
	[smem:$0x3FD2] =	sst s25  }
0xa7: {  	s6 =	sshll.u32 s26, $0x1;
	_ =	strace $0x80000046;
	[dreg:$0x1] =	wrdreg $0xFFFFFFFF  }
0xa8: {  	s28 =	simm.s32 $_size_execute0_lowered;
	s4 =	sadd.s32 s4, s6;
	[dreg:$0x0] =	wrdreg $0x0  }
0xa9: {  	s6 =	sshll.u32 s28, $0x1;
	[dreg:$0x2] =	wrdreg s4  }
0xaa: {  	[dreg:$0x3] =	wrdreg s6  }
0xab: {  	[dreg:$0x4] =	wrdreg $0xC0  }
0xac: {  	_ =	task [dreg:s8], $0x5FFFF  }
0xad: {  	[dreg:$0x1] =	wrdreg $0xFFFFFFFF  }
0xae: {  	[dreg:$0x0] =	wrdreg $0x60  }
0xaf: {  	[dreg:$0x2] =	wrdreg s2  }
0xb0: {  	[dreg:$0x3] =	wrdreg s18  }
0xb1: {  	[dreg:$0x4] =	wrdreg s24  }
0xb2: {  	[dreg:$0x5] =	wrdreg $0x9  }
0xb3: {  	_ =	task.clear_ibuf [dreg:s8], $0x6FFFF;
	_ =	strace $0x90000046  }
0xb4: {  	s29 =	simm.s32 $0x9;
	_ =	strace $0x80000048  }
0xb5: {  	_ =	swait.ge [sflag:s29], $0x1  }
0xb6: {  	[sflag:s29] =	ssyncadd.s32 $0xFFFFFFFF  }
0xb7: {  	_ =	strace $0x90000048  }
0xb8: {  	_ =	sfence  }
0xb9: {  	s30 =	sld [smem:$0x0];
	_ =	sdelay $0x2  }
0xba: {  	s31 =	sshll.u32 s1, $0xD;
	s1 =	sshrl.u32 s1, $0x2  }
0xbb: {  	s3 =	sand.u32 $0x4000, s31;
	s1 =	sadd.s32 s1, s30  }
0xbc: {  	s0 =	sor.u32 s3, s0;
	s1 =	sshll.u32 s1, $0x11  }
0xbd: {  	s0 =	sor.u32 s1, s0  }
0xbe: {  	s0 =	sadd.s32 $0x8F2B, s0  }
0xbf: {  	[sflag:s0] =	ssyncadd.remote.s32 $0x1  }
0xc0: {  	_ =	sfence.sel $0xFFFF  }
0xc1: {  	[dreg:$0x0] =	wrdreg $0xFFFFFFFF;
	(pc) =	sbr.abs _section_cstart, $3  }
0xc2: {  	[dreg:$0x1] =	wrdreg $0xFFFFFFFF  }
0xc3: {  	_ =	task.clear_ibuf [dreg:s8], $0x2FFFF;
	_ =	strace $0x9FFFFFFF  }
0xc4: {  	(tm) =	ssettm $0x7FFFFFFF  }
0xc5: {  	_ =	shalt  }
tec
execute0_lowered:
.L_overlay_start_1:
0x0: {  	(tag) =	ssettag $0x1  }
0x1: {  	s7 =	rddreg [dreg:$0x0]  }
0x2: {  	s8 =	rddreg [dreg:$0x1]  }
0x3: {  	s9 =	rddreg [dreg:$0x2]  }
0x4: {  	s0 =	rddreg [dreg:$0x3];
	s1 =	simm.s32 $0x0;
	s10 =	srdreg.scid  }
0x5: {  	s4 =	stileid.u32;
	s20 =	simm.s32 $0x100;
	s21 =	simm.s32 $0x400  }
0x6: {  	s22 =	simm.s32 $0x8400;
	s23 =	simm.s32 $0x1;
	s24 =	simm.s32 $0x2  }
0x7: {  	s25 =	simm.s32 $0x3;
	s28 =	simm.s32 $0x300;
	[smem:$0x7FF] =	sst s1  }
0x8: {  	s26 =	simm.s32 $0x4;
	s3 =	sadd.s32 $0x401800, s9;
	s5 =	sadd.s32 $0x801800, s9  }
0x9: {  	s2 =	sadd.s32 $0x1800, s9;
	s6 =	sadd.s32 $0xC01800, s9;
	s11 =	sadd.s32 $0x1001800, s9  }
0xa: {  	s10 =	sand.u32 $0x1, s10;
	s12 =	sadd.s32 $0x1041800, s9;
	s13 =	sshll.u32 s4, $0xA  }
0xb: {  	s15 =	sadd.s32 $0x1081800, s9;
	s14 =	sshll.u32 s10, $0x9;
	s10 =	ssub.s32 $0x2, s10  }
0xc: {  	s16 =	sadd.s32 $0x10C1800, s9;
	s13 =	sor.u32 s14, s13;
	s31 =	sshrl.u32 s10, $0x1  }
0xd: {  	_ =	strace $0x80000047;
	s14 =	sshrl.u32 s13, $0x3;
	s17 =	ssub.s32 s10, s31  }
0xe: {  	s18 =	sshll.u32 s13, $0x4;
	s7 =	sadd.s32 s7, s14;
	s8 =	sadd.s32 s8, s14  }
0xf: {  	s9 =	sadd.s32 s11, s18;
	s19 =	sor.u32 $0x1000, s18;
	s13 =	sadd.s32 s15, s18  }
0x10: {  	s17 =	smax.u32 s17, $0x1;
	s10 =	sadd.s32 s11, s19;
	s11 =	sadd.s32 s12, s18  }
0x11: {  	s12 =	sadd.s32 s12, s19;
	s14 =	sadd.s32 s15, s19;
	s15 =	sadd.s32 s16, s18  }
0x12: {  	s16 =	sadd.s32 s16, s19;
	s18 =	simm.s32 $0x5;
	s19 =	simm.s32 $0x200  }
.LBB2_1:
0x13: {  	[tilespmem:s1], [sflag:$0x5] =	stream.linear.gather [hbm4b:s7+s1], $0x200, $0x38;
	[tilespmem:$0x10400] =	vst v63  }
0x14: {  	_ =	swait.ge [sflag:s18], $0x200  }
0x15: {  	[sflag:s18] =	ssyncset.done $0x0  }
0x16: {  	[sflag:s18] =	ssyncadd.s32 $0xFFFFFE00  }
0x17: {  	[tilespmem:s19], [sflag:$0x5] =	stream.linear.gather [hbm4b:s8+s1], $0x200, $0x38;
	[tilespmem:$0x10400] =	vst v63  }
0x18: {  	_ =	swait.ge [sflag:s18], $0x200  }
0x19: {  	[sflag:s18] =	ssyncset.done $0x0  }
0x1a: {  	[sflag:s18] =	ssyncadd.s32 $0xFFFFFE00  }
0x1b: {  	v0 =	vld [tilespmem:$0x0]  }
0x1c: {  	v1 =	vld [tilespmem:$0x200]  }
0x1d: {  	v2 =	vld [tilespmem:$0x10]  }
0x1e: {  	v3 =	vld [tilespmem:$0x210]  }
0x1f: {  	v4 =	vld [tilespmem:$0x20]  }
0x20: {  	v5 =	vld [tilespmem:$0x220];
	v0 =	vshrl.u32 v0, $0x1  }
0x21: {  	v6 =	vld [tilespmem:$0x30];
	v1 =	vshrl.u32 v1, $0x1;
	v0 =	vand.u32 $0x3FFFF, v0  }
0x22: {  	v51 =	vld [tilespmem:$0x230];
	v50 =	vshrl.u32 v2, $0x1;
	v49 =	vand.u32 $0x3FFFF, v1;
	[tilespmem:$0x0] =	vst v0  }
0x23: {  	v54 =	vld [tilespmem:$0x40];
	v53 =	vshrl.u32 v3, $0x1;
	v52 =	vand.u32 $0x3FFFF, v50;
	[tilespmem:$0x200] =	vst v49  }
0x24: {  	v57 =	vld [tilespmem:$0x240];
	v56 =	vshrl.u32 v4, $0x1;
	v55 =	vand.u32 $0x3FFFF, v53;
	[tilespmem:$0x10] =	vst v52  }
0x25: {  	v60 =	vld [tilespmem:$0x50];
	v59 =	vshrl.u32 v5, $0x1;
	v58 =	vand.u32 $0x3FFFF, v56;
	[tilespmem:$0x210] =	vst v55  }
0x26: {  	v63 =	vld [tilespmem:$0x250];
	v62 =	vshrl.u32 v6, $0x1;
	v61 =	vand.u32 $0x3FFFF, v59;
	[tilespmem:$0x20] =	vst v58  }
0x27: {  	v11 =	vld [tilespmem:$0x60];
	v10 =	vshrl.u32 v51, $0x1;
	v9 =	vand.u32 $0x3FFFF, v62;
	[tilespmem:$0x220] =	vst v61  }
0x28: {  	v14 =	vld [tilespmem:$0x260];
	v13 =	vshrl.u32 v54, $0x1;
	v12 =	vand.u32 $0x3FFFF, v10;
	[tilespmem:$0x30] =	vst v9  }
0x29: {  	v17 =	vld [tilespmem:$0x70];
	v16 =	vshrl.u32 v57, $0x1;
	v15 =	vand.u32 $0x3FFFF, v13;
	[tilespmem:$0x230] =	vst v12  }
0x2a: {  	v20 =	vld [tilespmem:$0x270];
	v19 =	vshrl.u32 v60, $0x1;
	v18 =	vand.u32 $0x3FFFF, v16;
	[tilespmem:$0x40] =	vst v15  }
0x2b: {  	v23 =	vld [tilespmem:$0x80];
	v22 =	vshrl.u32 v63, $0x1;
	v21 =	vand.u32 $0x3FFFF, v19;
	[tilespmem:$0x240] =	vst v18  }
0x2c: {  	v26 =	vld [tilespmem:$0x280];
	v25 =	vshrl.u32 v11, $0x1;
	v24 =	vand.u32 $0x3FFFF, v22;
	[tilespmem:$0x50] =	vst v21  }
0x2d: {  	v29 =	vld [tilespmem:$0x90];
	v28 =	vshrl.u32 v14, $0x1;
	v27 =	vand.u32 $0x3FFFF, v25;
	[tilespmem:$0x250] =	vst v24  }
0x2e: {  	v32 =	vld [tilespmem:$0x290];
	v31 =	vshrl.u32 v17, $0x1;
	v30 =	vand.u32 $0x3FFFF, v28;
	[tilespmem:$0x60] =	vst v27  }
0x2f: {  	v35 =	vld [tilespmem:$0xA0];
	v34 =	vshrl.u32 v20, $0x1;
	v33 =	vand.u32 $0x3FFFF, v31;
	[tilespmem:$0x260] =	vst v30  }
0x30: {  	v38 =	vld [tilespmem:$0x2A0];
	v37 =	vshrl.u32 v23, $0x1;
	v36 =	vand.u32 $0x3FFFF, v34;
	[tilespmem:$0x70] =	vst v33  }
0x31: {  	v41 =	vld [tilespmem:$0xB0];
	v40 =	vshrl.u32 v26, $0x1;
	v39 =	vand.u32 $0x3FFFF, v37;
	[tilespmem:$0x270] =	vst v36  }
0x32: {  	v44 =	vld [tilespmem:$0x2B0];
	v43 =	vshrl.u32 v29, $0x1;
	v42 =	vand.u32 $0x3FFFF, v40;
	[tilespmem:$0x80] =	vst v39  }
0x33: {  	v47 =	vld [tilespmem:$0xC0];
	v46 =	vshrl.u32 v32, $0x1;
	v45 =	vand.u32 $0x3FFFF, v43;
	[tilespmem:$0x280] =	vst v42  }
0x34: {  	v48 =	vand.u32 $0x3FFFF, v46;
	v50 =	vld [tilespmem:$0x2C0];
	[tilespmem:$0x90] =	vst v45;
	v49 =	vshrl.u32 v35, $0x1  }
0x35: {  	v53 =	vld [tilespmem:$0xD0];
	[tilespmem:$0x290] =	vst v48;
	v52 =	vshrl.u32 v38, $0x1;
	v51 =	vand.u32 $0x3FFFF, v49  }
0x36: {  	v56 =	vld [tilespmem:$0x2D0];
	v55 =	vshrl.u32 v41, $0x1;
	v54 =	vand.u32 $0x3FFFF, v52;
	[tilespmem:$0xA0] =	vst v51  }
0x37: {  	v59 =	vld [tilespmem:$0xE0];
	v58 =	vshrl.u32 v44, $0x1;
	v57 =	vand.u32 $0x3FFFF, v55;
	[tilespmem:$0x2A0] =	vst v54  }
0x38: {  	v62 =	vld [tilespmem:$0x2E0];
	v61 =	vshrl.u32 v47, $0x1;
	v60 =	vand.u32 $0x3FFFF, v58;
	[tilespmem:$0xB0] =	vst v57  }
0x39: {  	v9 =	vld [tilespmem:$0xF0];
	v63 =	vand.u32 $0x3FFFF, v61;
	[tilespmem:$0x2B0] =	vst v60;
	v8 =	vshrl.u32 v50, $0x1  }
0x3a: {  	v12 =	vld [tilespmem:$0x2F0];
	[tilespmem:$0xC0] =	vst v63;
	v11 =	vshrl.u32 v53, $0x1;
	v10 =	vand.u32 $0x3FFFF, v8  }
0x3b: {  	v15 =	vld [tilespmem:$0x100];
	v14 =	vshrl.u32 v56, $0x1;
	v13 =	vand.u32 $0x3FFFF, v11;
	[tilespmem:$0x2C0] =	vst v10  }
0x3c: {  	v18 =	vld [tilespmem:$0x300];
	v17 =	vshrl.u32 v59, $0x1;
	v16 =	vand.u32 $0x3FFFF, v14;
	[tilespmem:$0xD0] =	vst v13  }
0x3d: {  	v21 =	vld [tilespmem:$0x110];
	v20 =	vshrl.u32 v62, $0x1;
	v19 =	vand.u32 $0x3FFFF, v17;
	[tilespmem:$0x2D0] =	vst v16  }
0x3e: {  	v24 =	vld [tilespmem:$0x310];
	v22 =	vand.u32 $0x3FFFF, v20;
	v23 =	vshrl.u32 v9, $0x1;
	[tilespmem:$0xE0] =	vst v19  }
0x3f: {  	v27 =	vld [tilespmem:$0x120];
	v26 =	vshrl.u32 v12, $0x1;
	[tilespmem:$0x2E0] =	vst v22;
	v25 =	vand.u32 $0x3FFFF, v23  }
0x40: {  	v30 =	vld [tilespmem:$0x320];
	v29 =	vshrl.u32 v15, $0x1;
	v28 =	vand.u32 $0x3FFFF, v26;
	[tilespmem:$0xF0] =	vst v25  }
0x41: {  	v33 =	vld [tilespmem:$0x130];
	v32 =	vshrl.u32 v18, $0x1;
	v31 =	vand.u32 $0x3FFFF, v29;
	[tilespmem:$0x2F0] =	vst v28  }
0x42: {  	v36 =	vld [tilespmem:$0x330];
	v35 =	vshrl.u32 v21, $0x1;
	v34 =	vand.u32 $0x3FFFF, v32;
	[tilespmem:$0x100] =	vst v31  }
0x43: {  	v39 =	vld [tilespmem:$0x140];
	v38 =	vshrl.u32 v24, $0x1;
	v37 =	vand.u32 $0x3FFFF, v35;
	[tilespmem:$0x300] =	vst v34  }
0x44: {  	v42 =	vld [tilespmem:$0x340];
	v41 =	vshrl.u32 v27, $0x1;
	v40 =	vand.u32 $0x3FFFF, v38;
	[tilespmem:$0x110] =	vst v37  }
0x45: {  	v45 =	vld [tilespmem:$0x150];
	v44 =	vshrl.u32 v30, $0x1;
	v43 =	vand.u32 $0x3FFFF, v41;
	[tilespmem:$0x310] =	vst v40  }
0x46: {  	v48 =	vld [tilespmem:$0x350];
	v47 =	vshrl.u32 v33, $0x1;
	v46 =	vand.u32 $0x3FFFF, v44;
	[tilespmem:$0x120] =	vst v43  }
0x47: {  	v51 =	vld [tilespmem:$0x160];
	v50 =	vshrl.u32 v36, $0x1;
	v49 =	vand.u32 $0x3FFFF, v47;
	[tilespmem:$0x320] =	vst v46  }
0x48: {  	v54 =	vld [tilespmem:$0x360];
	v53 =	vshrl.u32 v39, $0x1;
	v52 =	vand.u32 $0x3FFFF, v50;
	[tilespmem:$0x130] =	vst v49  }
0x49: {  	v57 =	vld [tilespmem:$0x170];
	v56 =	vshrl.u32 v42, $0x1;
	v55 =	vand.u32 $0x3FFFF, v53;
	[tilespmem:$0x330] =	vst v52  }
0x4a: {  	v60 =	vld [tilespmem:$0x370];
	v59 =	vshrl.u32 v45, $0x1;
	v58 =	vand.u32 $0x3FFFF, v56;
	[tilespmem:$0x140] =	vst v55  }
0x4b: {  	v63 =	vld [tilespmem:$0x180];
	v62 =	vshrl.u32 v48, $0x1;
	v61 =	vand.u32 $0x3FFFF, v59;
	[tilespmem:$0x340] =	vst v58  }
0x4c: {  	v8 =	vand.u32 $0x3FFFF, v62;
	v10 =	vld [tilespmem:$0x380];
	[tilespmem:$0x150] =	vst v61;
	v9 =	vshrl.u32 v51, $0x1  }
0x4d: {  	v13 =	vld [tilespmem:$0x190];
	[tilespmem:$0x350] =	vst v8;
	v12 =	vshrl.u32 v54, $0x1;
	v11 =	vand.u32 $0x3FFFF, v9  }
0x4e: {  	v16 =	vld [tilespmem:$0x390];
	v15 =	vshrl.u32 v57, $0x1;
	v14 =	vand.u32 $0x3FFFF, v12;
	[tilespmem:$0x160] =	vst v11  }
0x4f: {  	v19 =	vld [tilespmem:$0x1A0];
	v18 =	vshrl.u32 v60, $0x1;
	v17 =	vand.u32 $0x3FFFF, v15;
	[tilespmem:$0x360] =	vst v14  }
0x50: {  	v22 =	vld [tilespmem:$0x3A0];
	v21 =	vshrl.u32 v63, $0x1;
	v20 =	vand.u32 $0x3FFFF, v18;
	[tilespmem:$0x170] =	vst v17  }
0x51: {  	v25 =	vld [tilespmem:$0x1B0];
	v23 =	vand.u32 $0x3FFFF, v21;
	[tilespmem:$0x370] =	vst v20;
	v24 =	vshrl.u32 v10, $0x1  }
0x52: {  	v28 =	vld [tilespmem:$0x3B0];
	[tilespmem:$0x180] =	vst v23;
	v27 =	vshrl.u32 v13, $0x1;
	v26 =	vand.u32 $0x3FFFF, v24  }
0x53: {  	v31 =	vld [tilespmem:$0x1C0];
	v30 =	vshrl.u32 v16, $0x1;
	v29 =	vand.u32 $0x3FFFF, v27;
	[tilespmem:$0x380] =	vst v26  }
0x54: {  	v34 =	vld [tilespmem:$0x3C0];
	v33 =	vshrl.u32 v19, $0x1;
	v32 =	vand.u32 $0x3FFFF, v30;
	[tilespmem:$0x190] =	vst v29  }
0x55: {  	v37 =	vld [tilespmem:$0x1D0];
	v36 =	vshrl.u32 v22, $0x1;
	v35 =	vand.u32 $0x3FFFF, v33;
	[tilespmem:$0x390] =	vst v32  }
0x56: {  	v40 =	vld [tilespmem:$0x3D0];
	v38 =	vand.u32 $0x3FFFF, v36;
	v39 =	vshrl.u32 v25, $0x1;
	[tilespmem:$0x1A0] =	vst v35  }
0x57: {  	v43 =	vld [tilespmem:$0x1E0];
	v42 =	vshrl.u32 v28, $0x1;
	[tilespmem:$0x3A0] =	vst v38;
	v41 =	vand.u32 $0x3FFFF, v39  }
0x58: {  	v46 =	vld [tilespmem:$0x3E0];
	v45 =	vshrl.u32 v31, $0x1;
	v44 =	vand.u32 $0x3FFFF, v42;
	[tilespmem:$0x1B0] =	vst v41  }
0x59: {  	v49 =	vld [tilespmem:$0x1F0];
	v48 =	vshrl.u32 v34, $0x1;
	v47 =	vand.u32 $0x3FFFF, v45;
	[tilespmem:$0x3B0] =	vst v44  }
0x5a: {  	v52 =	vld [tilespmem:$0x3F0];
	v51 =	vshrl.u32 v37, $0x1;
	v50 =	vand.u32 $0x3FFFF, v48;
	[tilespmem:$0x1C0] =	vst v47  }
0x5b: {  	v54 =	vshrl.u32 v40, $0x1;
	v53 =	vand.u32 $0x3FFFF, v51;
	[tilespmem:$0x3C0] =	vst v50  }
0x5c: {  	v56 =	vshrl.u32 v43, $0x1;
	v55 =	vand.u32 $0x3FFFF, v54;
	[tilespmem:$0x1D0] =	vst v53  }
0x5d: {  	v58 =	vshrl.u32 v46, $0x1;
	v57 =	vand.u32 $0x3FFFF, v56;
	[tilespmem:$0x3D0] =	vst v55  }
0x5e: {  	v60 =	vshrl.u32 v49, $0x1;
	v59 =	vand.u32 $0x3FFFF, v58;
	[tilespmem:$0x1E0] =	vst v57  }
0x5f: {  	v62 =	vshrl.u32 v52, $0x1;
	v61 =	vand.u32 $0x3FFFF, v60;
	[tilespmem:$0x3E0] =	vst v59  }
0x60: {  	v63 =	vand.u32 $0x3FFFF, v62;
	[tilespmem:$0x1F0] =	vst v61  }
0x61: {  	[tilespmem:$0x3F0] =	vst v63  }
0x62: {  	[tilespmem:s21], [sflag:$0x1] =	stream.indirect.gather [hbm4b:s2+s20], $0x80, s1, s20, $0xb8;
	[tilespmem:$0x10400] =	vst v63  }
0x63: {  	_ = 	snop  }
0x64: {  	[tilespmem:s22], [sflag:$0x2] =	stream.indirect.gather [hbm4b:s2+s20], $0x80, s20, s20, $0xb8;
	[tilespmem:$0x10400] =	vst v63  }
0x65: {  	_ =	swait.ge [sflag:s23], $0x8000  }
0x66: {  	[sflag:s23] =	ssyncset.done $0x0  }
0x67: {  	[sflag:s23] =	ssyncadd.s32 $0xFFFF8000  }
0x68: {  	[hbm4b:s9+s1] =	stream.linear.scatter [tilespmem:s21], [sflag:$0x3], $0x8000, $0x38;
	[tilespmem:$0x10400] =	vst v63  }
0x69: {  	_ =	swait.ge [sflag:s24], $0x8000  }
0x6a: {  	[sflag:s24] =	ssyncset.done $0x0  }
0x6b: {  	[sflag:s24] =	ssyncadd.s32 $0xFFFF8000  }
0x6c: {  	[hbm4b:s10+s1] =	stream.linear.scatter [tilespmem:s22], [sflag:$0x4], $0x8000, $0x38;
	[tilespmem:$0x10400] =	vst v63  }
0x6d: {  	_ =	swait.ge [sflag:s25], $0x8000  }
0x6e: {  	[sflag:s25] =	ssyncset.done $0x0  }
0x6f: {  	[sflag:s25] =	ssyncadd.s32 $0xFFFF8000  }
0x70: {  	_ =	swait.ge [sflag:s26], $0x8000  }
0x71: {  	[sflag:s26] =	ssyncset.done $0x0  }
0x72: {  	[sflag:s26] =	ssyncadd.s32 $0xFFFF8000  }
0x73: {  	[tilespmem:s21], [sflag:$0x1] =	stream.indirect.gather [hbm4b:s3+s20], $0x80, s19, s20, $0xb8;
	[tilespmem:$0x10400] =	vst v63  }
0x74: {  	_ = 	snop  }
0x75: {  	[tilespmem:s22], [sflag:$0x2] =	stream.indirect.gather [hbm4b:s3+s20], $0x80, s28, s20, $0xb8;
	[tilespmem:$0x10400] =	vst v63  }
0x76: {  	_ =	swait.ge [sflag:s23], $0x8000  }
0x77: {  	[sflag:s23] =	ssyncset.done $0x0  }
0x78: {  	[sflag:s23] =	ssyncadd.s32 $0xFFFF8000  }
0x79: {  	[hbm4b:s11+s1] =	stream.linear.scatter [tilespmem:s21], [sflag:$0x3], $0x8000, $0x38;
	[tilespmem:$0x10400] =	vst v63  }
0x7a: {  	_ =	swait.ge [sflag:s24], $0x8000  }
0x7b: {  	[sflag:s24] =	ssyncset.done $0x0  }
0x7c: {  	[sflag:s24] =	ssyncadd.s32 $0xFFFF8000  }
0x7d: {  	[hbm4b:s12+s1] =	stream.linear.scatter [tilespmem:s22], [sflag:$0x4], $0x8000, $0x38;
	[tilespmem:$0x10400] =	vst v63  }
0x7e: {  	_ =	swait.ge [sflag:s25], $0x8000  }
0x7f: {  	[sflag:s25] =	ssyncset.done $0x0  }
0x80: {  	[sflag:s25] =	ssyncadd.s32 $0xFFFF8000  }
0x81: {  	_ =	swait.ge [sflag:s26], $0x8000  }
0x82: {  	[sflag:s26] =	ssyncset.done $0x0  }
0x83: {  	[sflag:s26] =	ssyncadd.s32 $0xFFFF8000  }
0x84: {  	[tilespmem:s21], [sflag:$0x1] =	stream.indirect.gather [hbm4b:s5+s20], $0x80, s1, s20, $0xb8;
	[tilespmem:$0x10400] =	vst v63  }
0x85: {  	_ = 	snop  }
0x86: {  	[tilespmem:s22], [sflag:$0x2] =	stream.indirect.gather [hbm4b:s5+s20], $0x80, s20, s20, $0xb8;
	[tilespmem:$0x10400] =	vst v63  }
0x87: {  	_ =	swait.ge [sflag:s23], $0x8000  }
0x88: {  	[sflag:s23] =	ssyncset.done $0x0  }
0x89: {  	[sflag:s23] =	ssyncadd.s32 $0xFFFF8000  }
0x8a: {  	[hbm4b:s13+s1] =	stream.linear.scatter [tilespmem:s21], [sflag:$0x3], $0x8000, $0x38;
	[tilespmem:$0x10400] =	vst v63  }
0x8b: {  	_ =	swait.ge [sflag:s24], $0x8000  }
0x8c: {  	[sflag:s24] =	ssyncset.done $0x0  }
0x8d: {  	[sflag:s24] =	ssyncadd.s32 $0xFFFF8000  }
0x8e: {  	[hbm4b:s14+s1] =	stream.linear.scatter [tilespmem:s22], [sflag:$0x4], $0x8000, $0x38;
	[tilespmem:$0x10400] =	vst v63  }
0x8f: {  	_ =	swait.ge [sflag:s25], $0x8000  }
0x90: {  	[sflag:s25] =	ssyncset.done $0x0  }
0x91: {  	[sflag:s25] =	ssyncadd.s32 $0xFFFF8000  }
0x92: {  	_ =	swait.ge [sflag:s26], $0x8000  }
0x93: {  	[sflag:s26] =	ssyncset.done $0x0  }
0x94: {  	[sflag:s26] =	ssyncadd.s32 $0xFFFF8000  }
0x95: {  	[tilespmem:s21], [sflag:$0x1] =	stream.indirect.gather [hbm4b:s6+s20], $0x80, s19, s20, $0xb8;
	[tilespmem:$0x10400] =	vst v63  }
0x96: {  	_ = 	snop  }
0x97: {  	[tilespmem:s22], [sflag:$0x2] =	stream.indirect.gather [hbm4b:s6+s20], $0x80, s28, s20, $0xb8;
	[tilespmem:$0x10400] =	vst v63  }
0x98: {  	_ =	swait.ge [sflag:s23], $0x8000  }
0x99: {  	[sflag:s23] =	ssyncset.done $0x0  }
0x9a: {  	[sflag:s23] =	ssyncadd.s32 $0xFFFF8000  }
0x9b: {  	[hbm4b:s15+s1] =	stream.linear.scatter [tilespmem:s21], [sflag:$0x3], $0x8000, $0x38;
	[tilespmem:$0x10400] =	vst v63  }
0x9c: {  	_ =	swait.ge [sflag:s24], $0x8000  }
0x9d: {  	[sflag:s24] =	ssyncset.done $0x0  }
0x9e: {  	[sflag:s24] =	ssyncadd.s32 $0xFFFF8000  }
0x9f: {  	[hbm4b:s16+s1] =	stream.linear.scatter [tilespmem:s22], [sflag:$0x4], $0x8000, $0x38;
	[tilespmem:$0x10400] =	vst v63  }
0xa0: {  	p0 =	sne.s32 s17, $0x1;
	_ =	swait.ge [sflag:s25], $0x8000  }
.Ltmp0:
0xa1: {  	[sflag:s25] =	ssyncset.done $0x0;
	(pc) =	sbr.rel @p0 .LBB2_1-.Ltmp0, $4  }
0xa2: {  	[sflag:s25] =	ssyncadd.s32 $0xFFFF8000  }
0xa3: {  	_ =	swait.ge [sflag:s26], $0x8000  }
0xa4: {  	[sflag:s26] =	ssyncset.done $0x0  }
0xa5: {  	s17 =	sadd.s32 $0xFFFFFFFF, s17;
	[sflag:s26] =	ssyncadd.s32 $0xFFFF8000  }
0xa6: {  	_ =	sfence.sel $0x180000  }
0xa7: {  	[bflag:$0x0] =	sbarrier.arrive $0xFFFF  }
0xa8: {  	p0 =	sne.s32 s4, $0x0;
	_ =	strace $0x90000047  }
0xa9: {  	s0 =	sadd.s32 @!p0 $0x100000, s0;
	[bflag:$0x2] =	sbarrier.arrive $0xFFFF  }
0xaa: {  	[sflag:s0] =	ssyncadd.tile.s32 @!p0 $0x1;
	_ =	shalt  }
.Lfunc_end2:
_tile_overlayer_lowered:
.L_overlay_start_2:
0xab: {  	(tag) =	ssettag $0x2  }
0xac: {  	s0 =	rddreg [dreg:$0x0];
	s2 =	stileid.u32  }
0xad: {  	s1 =	rddreg [dreg:$0x1];
	p0 =	sne.s32 s2, $0x0  }
0xae: {  	s3 =	rddreg [dreg:$0x2];
	[bflag:$0x3] =	sbarrier.arrive $0xFFFF;
	s2 =	simm.s32 @!p0 $0x1C05  }
0xaf: {  	[timem:s3], [sflag:s2] =	dma.local @!p0 [hbm:s0], s1  }
0xb0: {  	s0 =	simm.s32 @!p0 $0x5  }
0xb1: {  	_ =	swait.ge @!p0 [sflag:s0], s1  }
0xb2: {  	s1 =	ssub.s32 @!p0 $0x0, s1;
	[sflag:s0] =	ssyncset.done @!p0 $0x0  }
0xb3: {  	[sflag:s0] =	ssyncadd.s32 @!p0 s1  }
0xb4: {  	[bflag:$0x3] =	sbarrier.arrive $0xFFFF  }
0xb5: {  	_ =	shalt  }

</sc_bundles>
